<compile_context>
chip_gen: v7x
topology: tpu7x:2x2x1
jax: 0.10.2.dev20260603
libtpu: 0.0.44.dev20260713+nightly
codegen_flags: <defaults>
</compile_context>

<pallas_src>
import functools

import jax
import jax.numpy as jnp
from jax import lax
from jax.experimental import pallas as pl
from jax.experimental.pallas import tpu as pltpu
from jax.experimental.pallas import tpu_sc as plsc

_N_BINS = 15


def _stage1_body(logits_ref, labels_ref, conf_ref, acc_ref):
    x = logits_ref[...]
    y = labels_ref[...]
    mx = jnp.max(x, axis=0, keepdims=True)
    my = jnp.max(y, axis=0, keepdims=True)
    hit = (x >= mx) & (y >= my)
    acc_ref[...] = jnp.any(hit, axis=0).astype(jnp.float32)
    conf_ref[...] = jax.nn.sigmoid(mx).reshape(mx.shape[1])


def _stage1(logits_t, labels_t, block_cols):
    n_classes, n_samples = logits_t.shape
    n_steps = n_samples // block_cols
    return pl.pallas_call(
        _stage1_body,
        grid=(n_steps,),
        in_specs=[
            pl.BlockSpec((n_classes, block_cols), lambda i: (0, i)),
            pl.BlockSpec((n_classes, block_cols), lambda i: (0, i)),
        ],
        out_specs=[
            pl.BlockSpec((block_cols,), lambda i: (i,)),
            pl.BlockSpec((block_cols,), lambda i: (i,)),
        ],
        out_shape=[
            jax.ShapeDtypeStruct((n_samples,), jnp.float32),
            jax.ShapeDtypeStruct((n_samples,), jnp.float32),
        ],
        compiler_params=pltpu.CompilerParams(
            dimension_semantics=("arbitrary",),
        ),
    )(logits_t, labels_t)


def _stage2(conf, acc):
    n_samples = conf.shape[0]
    info = plsc.get_sparse_core_info()
    nc, ns, nl = info.num_cores, info.num_subcores, info.num_lanes
    nw = nc * ns
    chunk = n_samples // nw
    n_vec = chunk // nl
    mesh = plsc.VectorSubcoreMesh(core_axis_name="c", subcore_axis_name="s")

    @functools.partial(
        pl.kernel,
        mesh=mesh,
        out_type=jax.ShapeDtypeStruct((nw, 2 * _N_BINS * nl), jnp.float32),
        scratch_types=[
            pltpu.VMEM((chunk,), jnp.float32),
            pltpu.VMEM((chunk,), jnp.float32),
            pltpu.VMEM((2 * _N_BINS * nl,), jnp.float32),
            pltpu.SemaphoreType.DMA,
            pltpu.SemaphoreType.DMA,
        ],
    )
    def sc_hist(conf_hbm, acc_hbm, out_hbm, conf_v, acc_v, h_all, sem1, sem2):
        wid = lax.axis_index("s") * nc + lax.axis_index("c")
        base = wid * chunk
        cp1 = pltpu.async_copy(conf_hbm.at[pl.ds(base, chunk)], conf_v, sem1)
        cp2 = pltpu.async_copy(acc_hbm.at[pl.ds(base, chunk)], acc_v, sem2)
        cp1.wait()
        cp2.wait()
        zero = jnp.zeros((nl,), jnp.float32)
        one = jnp.ones((nl,), jnp.float32)

        def body(i, carry):
            packs, confs = carry
            off = i * nl
            v = conf_v[pl.ds(off, nl)]
            a = acc_v[pl.ds(off, nl)]
            base = one + a * 4096.0
            b0 = jnp.minimum((v * 15.0).astype(jnp.int32), 14)
            bf = b0.astype(jnp.float32)
            low = bf / 15.0
            up = (bf + 1.0) / 15.0
            bi = jnp.where(v <= low, b0 - 1, jnp.where(v > up, b0 + 1, b0))
            packs = tuple(
                c + jnp.where(bi == b, base, zero) for b, c in enumerate(packs))
            confs = tuple(
                c + jnp.where(bi == b, v, zero) for b, c in enumerate(confs))
            return packs, confs

        init = (tuple(zero for _ in range(_N_BINS)),
                tuple(zero for _ in range(_N_BINS)))
        packs, confs = lax.fori_loop(0, n_vec, body, init)
        nb = _N_BINS * nl
        for b in range(_N_BINS):
            h_all[pl.ds(b * nl, nl)] = packs[b]
            h_all[pl.ds(nb + b * nl, nl)] = confs[b]
        pltpu.sync_copy(h_all, out_hbm.at[wid])

    return sc_hist(conf, acc)


def _stage3_body(hist_ref, out_ref, *, n_workers, n_lanes, n_samples):
    h = hist_ref[...]
    nb = _N_BINS * n_lanes
    pack = h[:, 0:nb]
    sa_m = jnp.floor(pack * (1.0 / 4096.0))
    cnt_m = pack - 4096.0 * sa_m
    row_cnt = jnp.sum(cnt_m, axis=0, keepdims=True)
    row_sa = jnp.sum(sa_m, axis=0, keepdims=True)
    row_sc = jnp.sum(h[:, nb:2 * nb], axis=0, keepdims=True)

    def per_bin(row):
        return jnp.concatenate(
            [jnp.sum(row[:, b * n_lanes:(b + 1) * n_lanes], axis=1,
                     keepdims=True) for b in range(_N_BINS)], axis=1)

    cnt = per_bin(row_cnt)
    sc = per_bin(row_sc)
    sa = per_bin(row_sa)
    prop = cnt / jnp.float32(n_samples)
    safe = jnp.maximum(cnt, 1.0)
    contrib = jnp.abs(sc / safe - sa / safe) * prop
    contrib = jnp.where(cnt > 0.0, contrib, 0.0)
    out_ref[...] = jnp.sum(contrib, axis=1, keepdims=True)


def _stage3(hist2d, n_workers, n_lanes, n_samples):
    body = functools.partial(_stage3_body, n_workers=n_workers,
                             n_lanes=n_lanes, n_samples=n_samples)
    return pl.pallas_call(
        body,
        out_shape=jax.ShapeDtypeStruct((1, 1), jnp.float32),
    )(hist2d)


@jax.jit
def _ece(logits, labels):
    n_samples, _ = logits.shape
    block_cols = 2048 if n_samples % 2048 == 0 else n_samples
    conf, acc = _stage1(logits.T, labels.T, block_cols)
    hist = _stage2(conf, acc)
    n_workers, statbinlanes = hist.shape
    out = _stage3(hist, n_workers, statbinlanes // (2 * _N_BINS), n_samples)
    return out.reshape(1)


def kernel(logits, labels):
    return _ece(logits, labels)

# --- scband reference (transcript-rebuilt; emitter-appended) ---
"""Pipeline reference for scband-eceloss-56624848831072 (READ-ONLY COPY).

The authoritative reference and input builder live on the scoring server;
editing this copy changes nothing except your own understanding.
"""

import jax, jax.numpy as jnp
import numpy as np

N_BINS = 15
BOUNDARIES = np.linspace(0.0, 1.0, N_BINS + 1)


def setup_inputs(seed: int = 0) -> dict:
    key = jax.random.key(seed)
    k1, k2 = jax.random.split(key)
    logits = jax.random.normal(k1, (65536, 1000), dtype=jnp.float32)
    labels = jax.random.uniform(k2, (65536, 1000), dtype=jnp.float32)
    return {"logits": logits, "labels": labels}


def reference(logits, labels):
    sigmoids = jax.nn.sigmoid(logits)
    confidences = jnp.max(sigmoids, axis=1)
    predictions = jnp.argmax(sigmoids, axis=1)
    true_labels = jnp.argmax(labels, axis=1)
    accuracies = (predictions == true_labels).astype(jnp.float32)
    ece = jnp.zeros(1, dtype=logits.dtype)
    for i in range(N_BINS):
        bin_lower = float(BOUNDARIES[i])
        bin_upper = float(BOUNDARIES[i + 1])
        in_bin = (confidences > bin_lower) & (confidences <= bin_upper)
        in_bin_f = in_bin.astype(jnp.float32)
        prop_in_bin = jnp.mean(in_bin_f)
        cnt = jnp.sum(in_bin_f)
        safe_cnt = jnp.maximum(cnt, 1.0)
        accuracy_in_bin = jnp.sum(accuracies * in_bin_f) / safe_cnt
        avg_confidence_in_bin = jnp.sum(confidences * in_bin_f) / safe_cnt
        contrib = jnp.abs(avg_confidence_in_bin - accuracy_in_bin) * prop_in_bin
        ece = ece + jnp.where(cnt > 0.0, contrib, 0.0)
    return ece

if __name__ == "__main__":
    import jax
    _d = setup_inputs()
    print(jax.jit(kernel)(*tuple(_d.values())))

</pallas_src>

<mosaic_0001>
#map = affine_map<(d0, d1) -> (0)>
#map1 = affine_map<(d0, d1) -> (0, 0)>
module attributes {stable_mosaic.version = 14 : i64} {
  func.func @sc_hist(%arg0: i32, %arg1: i32, %arg2: memref<65536xf32, #tpu.memory_space<hbm>>, %arg3: memref<65536xf32, #tpu.memory_space<hbm>>, %arg4: memref<32x480xf32, #tpu.memory_space<hbm>>, %arg5: memref<2048xf32, #tpu.memory_space<vmem>>, %arg6: memref<2048xf32, #tpu.memory_space<vmem>>, %arg7: memref<480xf32, #tpu.memory_space<vmem>>, %arg8: memref<!tpu.dma_semaphore, #tpu.memory_space<semaphore_mem>>, %arg9: memref<!tpu.dma_semaphore, #tpu.memory_space<semaphore_mem>>) attributes {dimension_semantics = [#tpu.dimension_semantics<core_parallel>, #tpu.dimension_semantics<subcore_parallel>], iteration_bounds = array<i64: 2, 16>, scalar_prefetch = 0 : i64, scratch_operands = 5 : i64, tpu.core_type = #tpu.core_type<sc_vector_subcore>, window_params = [{transform_indices = #map}, {transform_indices = #map}, {transform_indices = #map1}]} {
    %mul3A = arith.constant 2 : i32
    %mul3A_0 = arith.muli %arg1, %mul3A : i32
    %add3A = arith.addi %mul3A_0, %arg0 : i32
    %mul3A_1 = arith.constant 2048 : i32
    %mul3A_2 = arith.muli %add3A, %mul3A_1 : i32
    %dma_start3A = tpu.memref_slice %arg2[%mul3A_2] : memref<65536xf32, #tpu.memory_space<hbm>> -> memref<2048xf32, #tpu.memory_space<hbm>>
    %dma_start3A_3 = tpu.memref_slice %arg2[%mul3A_2] : memref<65536xf32, #tpu.memory_space<hbm>> -> memref<2048xf32, #tpu.memory_space<hbm>>
    tpu.enqueue_dma source(%dma_start3A_3 : memref<2048xf32, #tpu.memory_space<hbm>>) target(%arg5 : memref<2048xf32, #tpu.memory_space<vmem>>) target_semaphore(%arg8 : memref<!tpu.dma_semaphore, #tpu.memory_space<semaphore_mem>>)
    %dma_start3A_4 = tpu.memref_slice %arg3[%mul3A_2] : memref<65536xf32, #tpu.memory_space<hbm>> -> memref<2048xf32, #tpu.memory_space<hbm>>
    %dma_start3A_5 = tpu.memref_slice %arg3[%mul3A_2] : memref<65536xf32, #tpu.memory_space<hbm>> -> memref<2048xf32, #tpu.memory_space<hbm>>
    tpu.enqueue_dma source(%dma_start3A_5 : memref<2048xf32, #tpu.memory_space<hbm>>) target(%arg6 : memref<2048xf32, #tpu.memory_space<vmem>>) target_semaphore(%arg9 : memref<!tpu.dma_semaphore, #tpu.memory_space<semaphore_mem>>)
    %dma_wait3A = tpu.memref_slice %arg2[%mul3A_2] : memref<65536xf32, #tpu.memory_space<hbm>> -> memref<2048xf32, #tpu.memory_space<hbm>>
    %dma_wait3A_6 = tpu.memref_slice %arg2[%mul3A_2] : memref<65536xf32, #tpu.memory_space<hbm>> -> memref<2048xf32, #tpu.memory_space<hbm>>
    tpu.wait_dma2 semaphore(%arg8 : memref<!tpu.dma_semaphore, #tpu.memory_space<semaphore_mem>>) src(%dma_wait3A_6 : memref<2048xf32, #tpu.memory_space<hbm>>) dst(%arg5 : memref<2048xf32, #tpu.memory_space<vmem>>)
    %dma_wait3A_7 = tpu.memref_slice %arg3[%mul3A_2] : memref<65536xf32, #tpu.memory_space<hbm>> -> memref<2048xf32, #tpu.memory_space<hbm>>
    %dma_wait3A_8 = tpu.memref_slice %arg3[%mul3A_2] : memref<65536xf32, #tpu.memory_space<hbm>> -> memref<2048xf32, #tpu.memory_space<hbm>>
    tpu.wait_dma2 semaphore(%arg9 : memref<!tpu.dma_semaphore, #tpu.memory_space<semaphore_mem>>) src(%dma_wait3A_8 : memref<2048xf32, #tpu.memory_space<hbm>>) dst(%arg6 : memref<2048xf32, #tpu.memory_space<vmem>>)
    %broadcast_in_dim3A = arith.constant 0.000000e+00 : f32
    %broadcast_in_dim3A_9 = vector.broadcast %broadcast_in_dim3A : f32 to vector<16xf32>
    %broadcast_in_dim3A_10 = arith.constant 1.000000e+00 : f32
    %broadcast_in_dim3A_11 = vector.broadcast %broadcast_in_dim3A_10 : f32 to vector<16xf32>
    %scan3A = arith.constant 0 : i32
    %scan3A_12 = arith.constant 128 : i32
    %scan3A_13 = arith.addi %scan3A, %scan3A_12 : i32
    %scan3A_14 = arith.constant 1 : i32
    %scan3A_15:30 = scf.for %scan3A_136 = %scan3A to %scan3A_13 step %scan3A_14 iter_args(%scan3A_137 = %broadcast_in_dim3A_9, %scan3A_138 = %broadcast_in_dim3A_9, %scan3A_139 = %broadcast_in_dim3A_9, %scan3A_140 = %broadcast_in_dim3A_9, %scan3A_141 = %broadcast_in_dim3A_9, %scan3A_142 = %broadcast_in_dim3A_9, %scan3A_143 = %broadcast_in_dim3A_9, %scan3A_144 = %broadcast_in_dim3A_9, %scan3A_145 = %broadcast_in_dim3A_9, %scan3A_146 = %broadcast_in_dim3A_9, %scan3A_147 = %broadcast_in_dim3A_9, %scan3A_148 = %broadcast_in_dim3A_9, %scan3A_149 = %broadcast_in_dim3A_9, %scan3A_150 = %broadcast_in_dim3A_9, %scan3A_151 = %broadcast_in_dim3A_9, %scan3A_152 = %broadcast_in_dim3A_9, %scan3A_153 = %broadcast_in_dim3A_9, %scan3A_154 = %broadcast_in_dim3A_9, %scan3A_155 = %broadcast_in_dim3A_9, %scan3A_156 = %broadcast_in_dim3A_9, %scan3A_157 = %broadcast_in_dim3A_9, %scan3A_158 = %broadcast_in_dim3A_9, %scan3A_159 = %broadcast_in_dim3A_9, %scan3A_160 = %broadcast_in_dim3A_9, %scan3A_161 = %broadcast_in_dim3A_9, %scan3A_162 = %broadcast_in_dim3A_9, %scan3A_163 = %broadcast_in_dim3A_9, %scan3A_164 = %broadcast_in_dim3A_9, %scan3A_165 = %broadcast_in_dim3A_9, %scan3A_166 = %broadcast_in_dim3A_9) -> (vector<16xf32>, vector<16xf32>, vector<16xf32>, vector<16xf32>, vector<16xf32>, vector<16xf32>, vector<16xf32>, vector<16xf32>, vector<16xf32>, vector<16xf32>, vector<16xf32>, vector<16xf32>, vector<16xf32>, vector<16xf32>, vector<16xf32>, vector<16xf32>, vector<16xf32>, vector<16xf32>, vector<16xf32>, vector<16xf32>, vector<16xf32>, vector<16xf32>, vector<16xf32>, vector<16xf32>, vector<16xf32>, vector<16xf32>, vector<16xf32>, vector<16xf32>, vector<16xf32>, vector<16xf32>)  : i32 {
      %mul3A_167 = arith.constant 16 : i32
      %mul3A_168 = arith.muli %scan3A_136, %mul3A_167 : i32
      %get3A = arith.index_cast %mul3A_168 : i32 to index
      %get3A_169 = tpu.vector_load %arg5[%get3A] {strides = array<i32>} : memref<2048xf32, #tpu.memory_space<vmem>>, vector<16xf32>,
      %get3A_170 = vector.shape_cast %get3A_169 : vector<16xf32> to vector<16xf32>
      %get3A_171 = arith.index_cast %mul3A_168 : i32 to index
      %get3A_172 = tpu.vector_load %arg6[%get3A_171] {strides = array<i32>} : memref<2048xf32, #tpu.memory_space<vmem>>, vector<16xf32>,
      %get3A_173 = vector.shape_cast %get3A_172 : vector<16xf32> to vector<16xf32>
      %mul3A_174 = arith.constant 4.096000e+03 : f32
      %mul3A_175 = vector.broadcast %mul3A_174 : f32 to vector<16xf32>
      %mul3A_176 = arith.mulf %get3A_173, %mul3A_175 : vector<16xf32>
      %add3A_177 = arith.addf %broadcast_in_dim3A_11, %mul3A_176 : vector<16xf32>
      %mul3A_178 = arith.constant 1.500000e+01 : f32
      %mul3A_179 = vector.broadcast %mul3A_178 : f32 to vector<16xf32>
      %mul3A_180 = arith.mulf %get3A_170, %mul3A_179 : vector<16xf32>
      %convert_element_type3A = arith.fptosi %mul3A_180 : vector<16xf32> to vector<16xi32>
      %min3A = arith.constant 14 : i32
      %min3A_181 = vector.broadcast %min3A : i32 to vector<16xi32>
      %min3A_182 = arith.minsi %convert_element_type3A, %min3A_181 : vector<16xi32>
      %convert_element_type3A_183 = arith.sitofp %min3A_182 : vector<16xi32> to vector<16xf32>
      %div3A = arith.constant 1.500000e+01 : f32
      %div3A_184 = vector.broadcast %div3A : f32 to vector<16xf32>
      %div3A_185 = arith.divf %convert_element_type3A_183, %div3A_184 : vector<16xf32>
      %add3A_186 = arith.constant 1.000000e+00 : f32
      %add3A_187 = vector.broadcast %add3A_186 : f32 to vector<16xf32>
      %add3A_188 = arith.addf %convert_element_type3A_183, %add3A_187 : vector<16xf32>
      %div3A_189 = arith.constant 1.500000e+01 : f32
      %div3A_190 = vector.broadcast %div3A_189 : f32 to vector<16xf32>
      %div3A_191 = arith.divf %add3A_188, %div3A_190 : vector<16xf32>
      %le3A = arith.cmpf ole, %get3A_170, %div3A_185 : vector<16xf32>
      %sub3A = arith.constant 1 : i32
      %sub3A_192 = vector.broadcast %sub3A : i32 to vector<16xi32>
      %sub3A_193 = arith.subi %min3A_182, %sub3A_192 : vector<16xi32>
      %gt3A = arith.cmpf ogt, %get3A_170, %div3A_191 : vector<16xf32>
      %add3A_194 = arith.constant 1 : i32
      %add3A_195 = vector.broadcast %add3A_194 : i32 to vector<16xi32>
      %add3A_196 = arith.addi %min3A_182, %add3A_195 : vector<16xi32>
      %select_n3A = arith.select %gt3A, %add3A_196, %min3A_182 : vector<16xi1>, vector<16xi32>
      %select_n3A_197 = arith.select %le3A, %sub3A_193, %select_n3A : vector<16xi1>, vector<16xi32>
      %eq3A = arith.constant 0 : i32
      %eq3A_198 = vector.broadcast %eq3A : i32 to vector<16xi32>
      %eq3A_199 = arith.cmpi eq, %select_n3A_197, %eq3A_198 : vector<16xi32>
      %select_n3A_200 = arith.select %eq3A_199, %add3A_177, %broadcast_in_dim3A_9 : vector<16xi1>, vector<16xf32>
      %add3A_201 = arith.addf %scan3A_137, %select_n3A_200 : vector<16xf32>
      %eq3A_202 = arith.constant 1 : i32
      %eq3A_203 = vector.broadcast %eq3A_202 : i32 to vector<16xi32>
      %eq3A_204 = arith.cmpi eq, %select_n3A_197, %eq3A_203 : vector<16xi32>
      %select_n3A_205 = arith.select %eq3A_204, %add3A_177, %broadcast_in_dim3A_9 : vector<16xi1>, vector<16xf32>
      %add3A_206 = arith.addf %scan3A_138, %select_n3A_205 : vector<16xf32>
      %eq3A_207 = arith.constant 2 : i32
      %eq3A_208 = vector.broadcast %eq3A_207 : i32 to vector<16xi32>
      %eq3A_209 = arith.cmpi eq, %select_n3A_197, %eq3A_208 : vector<16xi32>
      %select_n3A_210 = arith.select %eq3A_209, %add3A_177, %broadcast_in_dim3A_9 : vector<16xi1>, vector<16xf32>
      %add3A_211 = arith.addf %scan3A_139, %select_n3A_210 : vector<16xf32>
      %eq3A_212 = arith.constant 3 : i32
      %eq3A_213 = vector.broadcast %eq3A_212 : i32 to vector<16xi32>
      %eq3A_214 = arith.cmpi eq, %select_n3A_197, %eq3A_213 : vector<16xi32>
      %select_n3A_215 = arith.select %eq3A_214, %add3A_177, %broadcast_in_dim3A_9 : vector<16xi1>, vector<16xf32>
      %add3A_216 = arith.addf %scan3A_140, %select_n3A_215 : vector<16xf32>
      %eq3A_217 = arith.constant 4 : i32
      %eq3A_218 = vector.broadcast %eq3A_217 : i32 to vector<16xi32>
      %eq3A_219 = arith.cmpi eq, %select_n3A_197, %eq3A_218 : vector<16xi32>
      %select_n3A_220 = arith.select %eq3A_219, %add3A_177, %broadcast_in_dim3A_9 : vector<16xi1>, vector<16xf32>
      %add3A_221 = arith.addf %scan3A_141, %select_n3A_220 : vector<16xf32>
      %eq3A_222 = arith.constant 5 : i32
      %eq3A_223 = vector.broadcast %eq3A_222 : i32 to vector<16xi32>
      %eq3A_224 = arith.cmpi eq, %select_n3A_197, %eq3A_223 : vector<16xi32>
      %select_n3A_225 = arith.select %eq3A_224, %add3A_177, %broadcast_in_dim3A_9 : vector<16xi1>, vector<16xf32>
      %add3A_226 = arith.addf %scan3A_142, %select_n3A_225 : vector<16xf32>
      %eq3A_227 = arith.constant 6 : i32
      %eq3A_228 = vector.broadcast %eq3A_227 : i32 to vector<16xi32>
      %eq3A_229 = arith.cmpi eq, %select_n3A_197, %eq3A_228 : vector<16xi32>
      %select_n3A_230 = arith.select %eq3A_229, %add3A_177, %broadcast_in_dim3A_9 : vector<16xi1>, vector<16xf32>
      %add3A_231 = arith.addf %scan3A_143, %select_n3A_230 : vector<16xf32>
      %eq3A_232 = arith.constant 7 : i32
      %eq3A_233 = vector.broadcast %eq3A_232 : i32 to vector<16xi32>
      %eq3A_234 = arith.cmpi eq, %select_n3A_197, %eq3A_233 : vector<16xi32>
      %select_n3A_235 = arith.select %eq3A_234, %add3A_177, %broadcast_in_dim3A_9 : vector<16xi1>, vector<16xf32>
      %add3A_236 = arith.addf %scan3A_144, %select_n3A_235 : vector<16xf32>
      %eq3A_237 = arith.constant 8 : i32
      %eq3A_238 = vector.broadcast %eq3A_237 : i32 to vector<16xi32>
      %eq3A_239 = arith.cmpi eq, %select_n3A_197, %eq3A_238 : vector<16xi32>
      %select_n3A_240 = arith.select %eq3A_239, %add3A_177, %broadcast_in_dim3A_9 : vector<16xi1>, vector<16xf32>
      %add3A_241 = arith.addf %scan3A_145, %select_n3A_240 : vector<16xf32>
      %eq3A_242 = arith.constant 9 : i32
      %eq3A_243 = vector.broadcast %eq3A_242 : i32 to vector<16xi32>
      %eq3A_244 = arith.cmpi eq, %select_n3A_197, %eq3A_243 : vector<16xi32>
      %select_n3A_245 = arith.select %eq3A_244, %add3A_177, %broadcast_in_dim3A_9 : vector<16xi1>, vector<16xf32>
      %add3A_246 = arith.addf %scan3A_146, %select_n3A_245 : vector<16xf32>
      %eq3A_247 = arith.constant 10 : i32
      %eq3A_248 = vector.broadcast %eq3A_247 : i32 to vector<16xi32>
      %eq3A_249 = arith.cmpi eq, %select_n3A_197, %eq3A_248 : vector<16xi32>
      %select_n3A_250 = arith.select %eq3A_249, %add3A_177, %broadcast_in_dim3A_9 : vector<16xi1>, vector<16xf32>
      %add3A_251 = arith.addf %scan3A_147, %select_n3A_250 : vector<16xf32>
      %eq3A_252 = arith.constant 11 : i32
      %eq3A_253 = vector.broadcast %eq3A_252 : i32 to vector<16xi32>
      %eq3A_254 = arith.cmpi eq, %select_n3A_197, %eq3A_253 : vector<16xi32>
      %select_n3A_255 = arith.select %eq3A_254, %add3A_177, %broadcast_in_dim3A_9 : vector<16xi1>, vector<16xf32>
      %add3A_256 = arith.addf %scan3A_148, %select_n3A_255 : vector<16xf32>
      %eq3A_257 = arith.constant 12 : i32
      %eq3A_258 = vector.broadcast %eq3A_257 : i32 to vector<16xi32>
      %eq3A_259 = arith.cmpi eq, %select_n3A_197, %eq3A_258 : vector<16xi32>
      %select_n3A_260 = arith.select %eq3A_259, %add3A_177, %broadcast_in_dim3A_9 : vector<16xi1>, vector<16xf32>
      %add3A_261 = arith.addf %scan3A_149, %select_n3A_260 : vector<16xf32>
      %eq3A_262 = arith.constant 13 : i32
      %eq3A_263 = vector.broadcast %eq3A_262 : i32 to vector<16xi32>
      %eq3A_264 = arith.cmpi eq, %select_n3A_197, %eq3A_263 : vector<16xi32>
      %select_n3A_265 = arith.select %eq3A_264, %add3A_177, %broadcast_in_dim3A_9 : vector<16xi1>, vector<16xf32>
      %add3A_266 = arith.addf %scan3A_150, %select_n3A_265 : vector<16xf32>
      %eq3A_267 = arith.constant 14 : i32
      %eq3A_268 = vector.broadcast %eq3A_267 : i32 to vector<16xi32>
      %eq3A_269 = arith.cmpi eq, %select_n3A_197, %eq3A_268 : vector<16xi32>
      %select_n3A_270 = arith.select %eq3A_269, %add3A_177, %broadcast_in_dim3A_9 : vector<16xi1>, vector<16xf32>
      %add3A_271 = arith.addf %scan3A_151, %select_n3A_270 : vector<16xf32>
      %eq3A_272 = arith.constant 0 : i32
      %eq3A_273 = vector.broadcast %eq3A_272 : i32 to vector<16xi32>
      %eq3A_274 = arith.cmpi eq, %select_n3A_197, %eq3A_273 : vector<16xi32>
      %select_n3A_275 = arith.select %eq3A_274, %get3A_170, %broadcast_in_dim3A_9 : vector<16xi1>, vector<16xf32>
      %add3A_276 = arith.addf %scan3A_152, %select_n3A_275 : vector<16xf32>
      %eq3A_277 = arith.constant 1 : i32
      %eq3A_278 = vector.broadcast %eq3A_277 : i32 to vector<16xi32>
      %eq3A_279 = arith.cmpi eq, %select_n3A_197, %eq3A_278 : vector<16xi32>
      %select_n3A_280 = arith.select %eq3A_279, %get3A_170, %broadcast_in_dim3A_9 : vector<16xi1>, vector<16xf32>
      %add3A_281 = arith.addf %scan3A_153, %select_n3A_280 : vector<16xf32>
      %eq3A_282 = arith.constant 2 : i32
      %eq3A_283 = vector.broadcast %eq3A_282 : i32 to vector<16xi32>
      %eq3A_284 = arith.cmpi eq, %select_n3A_197, %eq3A_283 : vector<16xi32>
      %select_n3A_285 = arith.select %eq3A_284, %get3A_170, %broadcast_in_dim3A_9 : vector<16xi1>, vector<16xf32>
      %add3A_286 = arith.addf %scan3A_154, %select_n3A_285 : vector<16xf32>
      %eq3A_287 = arith.constant 3 : i32
      %eq3A_288 = vector.broadcast %eq3A_287 : i32 to vector<16xi32>
      %eq3A_289 = arith.cmpi eq, %select_n3A_197, %eq3A_288 : vector<16xi32>
      %select_n3A_290 = arith.select %eq3A_289, %get3A_170, %broadcast_in_dim3A_9 : vector<16xi1>, vector<16xf32>
      %add3A_291 = arith.addf %scan3A_155, %select_n3A_290 : vector<16xf32>
      %eq3A_292 = arith.constant 4 : i32
      %eq3A_293 = vector.broadcast %eq3A_292 : i32 to vector<16xi32>
      %eq3A_294 = arith.cmpi eq, %select_n3A_197, %eq3A_293 : vector<16xi32>
      %select_n3A_295 = arith.select %eq3A_294, %get3A_170, %broadcast_in_dim3A_9 : vector<16xi1>, vector<16xf32>
      %add3A_296 = arith.addf %scan3A_156, %select_n3A_295 : vector<16xf32>
      %eq3A_297 = arith.constant 5 : i32
      %eq3A_298 = vector.broadcast %eq3A_297 : i32 to vector<16xi32>
      %eq3A_299 = arith.cmpi eq, %select_n3A_197, %eq3A_298 : vector<16xi32>
      %select_n3A_300 = arith.select %eq3A_299, %get3A_170, %broadcast_in_dim3A_9 : vector<16xi1>, vector<16xf32>
      %add3A_301 = arith.addf %scan3A_157, %select_n3A_300 : vector<16xf32>
      %eq3A_302 = arith.constant 6 : i32
      %eq3A_303 = vector.broadcast %eq3A_302 : i32 to vector<16xi32>
      %eq3A_304 = arith.cmpi eq, %select_n3A_197, %eq3A_303 : vector<16xi32>
      %select_n3A_305 = arith.select %eq3A_304, %get3A_170, %broadcast_in_dim3A_9 : vector<16xi1>, vector<16xf32>
      %add3A_306 = arith.addf %scan3A_158, %select_n3A_305 : vector<16xf32>
      %eq3A_307 = arith.constant 7 : i32
      %eq3A_308 = vector.broadcast %eq3A_307 : i32 to vector<16xi32>
      %eq3A_309 = arith.cmpi eq, %select_n3A_197, %eq3A_308 : vector<16xi32>
      %select_n3A_310 = arith.select %eq3A_309, %get3A_170, %broadcast_in_dim3A_9 : vector<16xi1>, vector<16xf32>
      %add3A_311 = arith.addf %scan3A_159, %select_n3A_310 : vector<16xf32>
      %eq3A_312 = arith.constant 8 : i32
      %eq3A_313 = vector.broadcast %eq3A_312 : i32 to vector<16xi32>
      %eq3A_314 = arith.cmpi eq, %select_n3A_197, %eq3A_313 : vector<16xi32>
      %select_n3A_315 = arith.select %eq3A_314, %get3A_170, %broadcast_in_dim3A_9 : vector<16xi1>, vector<16xf32>
      %add3A_316 = arith.addf %scan3A_160, %select_n3A_315 : vector<16xf32>
      %eq3A_317 = arith.constant 9 : i32
      %eq3A_318 = vector.broadcast %eq3A_317 : i32 to vector<16xi32>
      %eq3A_319 = arith.cmpi eq, %select_n3A_197, %eq3A_318 : vector<16xi32>
      %select_n3A_320 = arith.select %eq3A_319, %get3A_170, %broadcast_in_dim3A_9 : vector<16xi1>, vector<16xf32>
      %add3A_321 = arith.addf %scan3A_161, %select_n3A_320 : vector<16xf32>
      %eq3A_322 = arith.constant 10 : i32
      %eq3A_323 = vector.broadcast %eq3A_322 : i32 to vector<16xi32>
      %eq3A_324 = arith.cmpi eq, %select_n3A_197, %eq3A_323 : vector<16xi32>
      %select_n3A_325 = arith.select %eq3A_324, %get3A_170, %broadcast_in_dim3A_9 : vector<16xi1>, vector<16xf32>
      %add3A_326 = arith.addf %scan3A_162, %select_n3A_325 : vector<16xf32>
      %eq3A_327 = arith.constant 11 : i32
      %eq3A_328 = vector.broadcast %eq3A_327 : i32 to vector<16xi32>
      %eq3A_329 = arith.cmpi eq, %select_n3A_197, %eq3A_328 : vector<16xi32>
      %select_n3A_330 = arith.select %eq3A_329, %get3A_170, %broadcast_in_dim3A_9 : vector<16xi1>, vector<16xf32>
      %add3A_331 = arith.addf %scan3A_163, %select_n3A_330 : vector<16xf32>
      %eq3A_332 = arith.constant 12 : i32
      %eq3A_333 = vector.broadcast %eq3A_332 : i32 to vector<16xi32>
      %eq3A_334 = arith.cmpi eq, %select_n3A_197, %eq3A_333 : vector<16xi32>
      %select_n3A_335 = arith.select %eq3A_334, %get3A_170, %broadcast_in_dim3A_9 : vector<16xi1>, vector<16xf32>
      %add3A_336 = arith.addf %scan3A_164, %select_n3A_335 : vector<16xf32>
      %eq3A_337 = arith.constant 13 : i32
      %eq3A_338 = vector.broadcast %eq3A_337 : i32 to vector<16xi32>
      %eq3A_339 = arith.cmpi eq, %select_n3A_197, %eq3A_338 : vector<16xi32>
      %select_n3A_340 = arith.select %eq3A_339, %get3A_170, %broadcast_in_dim3A_9 : vector<16xi1>, vector<16xf32>
      %add3A_341 = arith.addf %scan3A_165, %select_n3A_340 : vector<16xf32>
      %eq3A_342 = arith.constant 14 : i32
      %eq3A_343 = vector.broadcast %eq3A_342 : i32 to vector<16xi32>
      %eq3A_344 = arith.cmpi eq, %select_n3A_197, %eq3A_343 : vector<16xi32>
      %select_n3A_345 = arith.select %eq3A_344, %get3A_170, %broadcast_in_dim3A_9 : vector<16xi1>, vector<16xf32>
      %add3A_346 = arith.addf %scan3A_166, %select_n3A_345 : vector<16xf32>
      scf.yield %add3A_201, %add3A_206, %add3A_211, %add3A_216, %add3A_221, %add3A_226, %add3A_231, %add3A_236, %add3A_241, %add3A_246, %add3A_251, %add3A_256, %add3A_261, %add3A_266, %add3A_271, %add3A_276, %add3A_281, %add3A_286, %add3A_291, %add3A_296, %add3A_301, %add3A_306, %add3A_311, %add3A_316, %add3A_321, %add3A_326, %add3A_331, %add3A_336, %add3A_341, %add3A_346 : vector<16xf32>, vector<16xf32>, vector<16xf32>, vector<16xf32>, vector<16xf32>, vector<16xf32>, vector<16xf32>, vector<16xf32>, vector<16xf32>, vector<16xf32>, vector<16xf32>, vector<16xf32>, vector<16xf32>, vector<16xf32>, vector<16xf32>, vector<16xf32>, vector<16xf32>, vector<16xf32>, vector<16xf32>, vector<16xf32>, vector<16xf32>, vector<16xf32>, vector<16xf32>, vector<16xf32>, vector<16xf32>, vector<16xf32>, vector<16xf32>, vector<16xf32>, vector<16xf32>, vector<16xf32>
    }
    %scan3A_16 = arith.constant 128 : i32
    %swap3A = arith.constant 0 : index
    %swap3A_17 = tpu.vector_load %arg7[%swap3A] {strides = array<i32>} : memref<480xf32, #tpu.memory_space<vmem>>, vector<16xf32>,
    %swap3A_18 = vector.shape_cast %swap3A_17 : vector<16xf32> to vector<16xf32>
    %swap3A_19 = vector.shape_cast %scan3A_15#0 : vector<16xf32> to vector<16xf32>
    tpu.vector_store %arg7[%swap3A], %swap3A_19 {strides = array<i32>} : memref<480xf32, #tpu.memory_space<vmem>>, vector<16xf32>,
    %swap3A_20 = arith.constant 240 : index
    %swap3A_21 = tpu.vector_load %arg7[%swap3A_20] {strides = array<i32>} : memref<480xf32, #tpu.memory_space<vmem>>, vector<16xf32>,
    %swap3A_22 = vector.shape_cast %swap3A_21 : vector<16xf32> to vector<16xf32>
    %swap3A_23 = vector.shape_cast %scan3A_15#15 : vector<16xf32> to vector<16xf32>
    tpu.vector_store %arg7[%swap3A_20], %swap3A_23 {strides = array<i32>} : memref<480xf32, #tpu.memory_space<vmem>>, vector<16xf32>,
    %swap3A_24 = arith.constant 16 : index
    %swap3A_25 = tpu.vector_load %arg7[%swap3A_24] {strides = array<i32>} : memref<480xf32, #tpu.memory_space<vmem>>, vector<16xf32>,
    %swap3A_26 = vector.shape_cast %swap3A_25 : vector<16xf32> to vector<16xf32>
    %swap3A_27 = vector.shape_cast %scan3A_15#1 : vector<16xf32> to vector<16xf32>
    tpu.vector_store %arg7[%swap3A_24], %swap3A_27 {strides = array<i32>} : memref<480xf32, #tpu.memory_space<vmem>>, vector<16xf32>,
    %swap3A_28 = arith.constant 256 : index
    %swap3A_29 = tpu.vector_load %arg7[%swap3A_28] {strides = array<i32>} : memref<480xf32, #tpu.memory_space<vmem>>, vector<16xf32>,
    %swap3A_30 = vector.shape_cast %swap3A_29 : vector<16xf32> to vector<16xf32>
    %swap3A_31 = vector.shape_cast %scan3A_15#16 : vector<16xf32> to vector<16xf32>
    tpu.vector_store %arg7[%swap3A_28], %swap3A_31 {strides = array<i32>} : memref<480xf32, #tpu.memory_space<vmem>>, vector<16xf32>,
    %swap3A_32 = arith.constant 32 : index
    %swap3A_33 = tpu.vector_load %arg7[%swap3A_32] {strides = array<i32>} : memref<480xf32, #tpu.memory_space<vmem>>, vector<16xf32>,
    %swap3A_34 = vector.shape_cast %swap3A_33 : vector<16xf32> to vector<16xf32>
    %swap3A_35 = vector.shape_cast %scan3A_15#2 : vector<16xf32> to vector<16xf32>
    tpu.vector_store %arg7[%swap3A_32], %swap3A_35 {strides = array<i32>} : memref<480xf32, #tpu.memory_space<vmem>>, vector<16xf32>,
    %swap3A_36 = arith.constant 272 : index
    %swap3A_37 = tpu.vector_load %arg7[%swap3A_36] {strides = array<i32>} : memref<480xf32, #tpu.memory_space<vmem>>, vector<16xf32>,
    %swap3A_38 = vector.shape_cast %swap3A_37 : vector<16xf32> to vector<16xf32>
    %swap3A_39 = vector.shape_cast %scan3A_15#17 : vector<16xf32> to vector<16xf32>
    tpu.vector_store %arg7[%swap3A_36], %swap3A_39 {strides = array<i32>} : memref<480xf32, #tpu.memory_space<vmem>>, vector<16xf32>,
    %swap3A_40 = arith.constant 48 : index
    %swap3A_41 = tpu.vector_load %arg7[%swap3A_40] {strides = array<i32>} : memref<480xf32, #tpu.memory_space<vmem>>, vector<16xf32>,
    %swap3A_42 = vector.shape_cast %swap3A_41 : vector<16xf32> to vector<16xf32>
    %swap3A_43 = vector.shape_cast %scan3A_15#3 : vector<16xf32> to vector<16xf32>
    tpu.vector_store %arg7[%swap3A_40], %swap3A_43 {strides = array<i32>} : memref<480xf32, #tpu.memory_space<vmem>>, vector<16xf32>,
    %swap3A_44 = arith.constant 288 : index
    %swap3A_45 = tpu.vector_load %arg7[%swap3A_44] {strides = array<i32>} : memref<480xf32, #tpu.memory_space<vmem>>, vector<16xf32>,
    %swap3A_46 = vector.shape_cast %swap3A_45 : vector<16xf32> to vector<16xf32>
    %swap3A_47 = vector.shape_cast %scan3A_15#18 : vector<16xf32> to vector<16xf32>
    tpu.vector_store %arg7[%swap3A_44], %swap3A_47 {strides = array<i32>} : memref<480xf32, #tpu.memory_space<vmem>>, vector<16xf32>,
    %swap3A_48 = arith.constant 64 : index
    %swap3A_49 = tpu.vector_load %arg7[%swap3A_48] {strides = array<i32>} : memref<480xf32, #tpu.memory_space<vmem>>, vector<16xf32>,
    %swap3A_50 = vector.shape_cast %swap3A_49 : vector<16xf32> to vector<16xf32>
    %swap3A_51 = vector.shape_cast %scan3A_15#4 : vector<16xf32> to vector<16xf32>
    tpu.vector_store %arg7[%swap3A_48], %swap3A_51 {strides = array<i32>} : memref<480xf32, #tpu.memory_space<vmem>>, vector<16xf32>,
    %swap3A_52 = arith.constant 304 : index
    %swap3A_53 = tpu.vector_load %arg7[%swap3A_52] {strides = array<i32>} : memref<480xf32, #tpu.memory_space<vmem>>, vector<16xf32>,
    %swap3A_54 = vector.shape_cast %swap3A_53 : vector<16xf32> to vector<16xf32>
    %swap3A_55 = vector.shape_cast %scan3A_15#19 : vector<16xf32> to vector<16xf32>
    tpu.vector_store %arg7[%swap3A_52], %swap3A_55 {strides = array<i32>} : memref<480xf32, #tpu.memory_space<vmem>>, vector<16xf32>,
    %swap3A_56 = arith.constant 80 : index
    %swap3A_57 = tpu.vector_load %arg7[%swap3A_56] {strides = array<i32>} : memref<480xf32, #tpu.memory_space<vmem>>, vector<16xf32>,
    %swap3A_58 = vector.shape_cast %swap3A_57 : vector<16xf32> to vector<16xf32>
    %swap3A_59 = vector.shape_cast %scan3A_15#5 : vector<16xf32> to vector<16xf32>
    tpu.vector_store %arg7[%swap3A_56], %swap3A_59 {strides = array<i32>} : memref<480xf32, #tpu.memory_space<vmem>>, vector<16xf32>,
    %swap3A_60 = arith.constant 320 : index
    %swap3A_61 = tpu.vector_load %arg7[%swap3A_60] {strides = array<i32>} : memref<480xf32, #tpu.memory_space<vmem>>, vector<16xf32>,
    %swap3A_62 = vector.shape_cast %swap3A_61 : vector<16xf32> to vector<16xf32>
    %swap3A_63 = vector.shape_cast %scan3A_15#20 : vector<16xf32> to vector<16xf32>
    tpu.vector_store %arg7[%swap3A_60], %swap3A_63 {strides = array<i32>} : memref<480xf32, #tpu.memory_space<vmem>>, vector<16xf32>,
    %swap3A_64 = arith.constant 96 : index
    %swap3A_65 = tpu.vector_load %arg7[%swap3A_64] {strides = array<i32>} : memref<480xf32, #tpu.memory_space<vmem>>, vector<16xf32>,
    %swap3A_66 = vector.shape_cast %swap3A_65 : vector<16xf32> to vector<16xf32>
    %swap3A_67 = vector.shape_cast %scan3A_15#6 : vector<16xf32> to vector<16xf32>
    tpu.vector_store %arg7[%swap3A_64], %swap3A_67 {strides = array<i32>} : memref<480xf32, #tpu.memory_space<vmem>>, vector<16xf32>,
    %swap3A_68 = arith.constant 336 : index
    %swap3A_69 = tpu.vector_load %arg7[%swap3A_68] {strides = array<i32>} : memref<480xf32, #tpu.memory_space<vmem>>, vector<16xf32>,
    %swap3A_70 = vector.shape_cast %swap3A_69 : vector<16xf32> to vector<16xf32>
    %swap3A_71 = vector.shape_cast %scan3A_15#21 : vector<16xf32> to vector<16xf32>
    tpu.vector_store %arg7[%swap3A_68], %swap3A_71 {strides = array<i32>} : memref<480xf32, #tpu.memory_space<vmem>>, vector<16xf32>,
    %swap3A_72 = arith.constant 112 : index
    %swap3A_73 = tpu.vector_load %arg7[%swap3A_72] {strides = array<i32>} : memref<480xf32, #tpu.memory_space<vmem>>, vector<16xf32>,
    %swap3A_74 = vector.shape_cast %swap3A_73 : vector<16xf32> to vector<16xf32>
    %swap3A_75 = vector.shape_cast %scan3A_15#7 : vector<16xf32> to vector<16xf32>
    tpu.vector_store %arg7[%swap3A_72], %swap3A_75 {strides = array<i32>} : memref<480xf32, #tpu.memory_space<vmem>>, vector<16xf32>,
    %swap3A_76 = arith.constant 352 : index
    %swap3A_77 = tpu.vector_load %arg7[%swap3A_76] {strides = array<i32>} : memref<480xf32, #tpu.memory_space<vmem>>, vector<16xf32>,
    %swap3A_78 = vector.shape_cast %swap3A_77 : vector<16xf32> to vector<16xf32>
    %swap3A_79 = vector.shape_cast %scan3A_15#22 : vector<16xf32> to vector<16xf32>
    tpu.vector_store %arg7[%swap3A_76], %swap3A_79 {strides = array<i32>} : memref<480xf32, #tpu.memory_space<vmem>>, vector<16xf32>,
    %swap3A_80 = arith.constant 128 : index
    %swap3A_81 = tpu.vector_load %arg7[%swap3A_80] {strides = array<i32>} : memref<480xf32, #tpu.memory_space<vmem>>, vector<16xf32>,
    %swap3A_82 = vector.shape_cast %swap3A_81 : vector<16xf32> to vector<16xf32>
    %swap3A_83 = vector.shape_cast %scan3A_15#8 : vector<16xf32> to vector<16xf32>
    tpu.vector_store %arg7[%swap3A_80], %swap3A_83 {strides = array<i32>} : memref<480xf32, #tpu.memory_space<vmem>>, vector<16xf32>,
    %swap3A_84 = arith.constant 368 : index
    %swap3A_85 = tpu.vector_load %arg7[%swap3A_84] {strides = array<i32>} : memref<480xf32, #tpu.memory_space<vmem>>, vector<16xf32>,
    %swap3A_86 = vector.shape_cast %swap3A_85 : vector<16xf32> to vector<16xf32>
    %swap3A_87 = vector.shape_cast %scan3A_15#23 : vector<16xf32> to vector<16xf32>
    tpu.vector_store %arg7[%swap3A_84], %swap3A_87 {strides = array<i32>} : memref<480xf32, #tpu.memory_space<vmem>>, vector<16xf32>,
    %swap3A_88 = arith.constant 144 : index
    %swap3A_89 = tpu.vector_load %arg7[%swap3A_88] {strides = array<i32>} : memref<480xf32, #tpu.memory_space<vmem>>, vector<16xf32>,
    %swap3A_90 = vector.shape_cast %swap3A_89 : vector<16xf32> to vector<16xf32>
    %swap3A_91 = vector.shape_cast %scan3A_15#9 : vector<16xf32> to vector<16xf32>
    tpu.vector_store %arg7[%swap3A_88], %swap3A_91 {strides = array<i32>} : memref<480xf32, #tpu.memory_space<vmem>>, vector<16xf32>,
    %swap3A_92 = arith.constant 384 : index
    %swap3A_93 = tpu.vector_load %arg7[%swap3A_92] {strides = array<i32>} : memref<480xf32, #tpu.memory_space<vmem>>, vector<16xf32>,
    %swap3A_94 = vector.shape_cast %swap3A_93 : vector<16xf32> to vector<16xf32>
    %swap3A_95 = vector.shape_cast %scan3A_15#24 : vector<16xf32> to vector<16xf32>
    tpu.vector_store %arg7[%swap3A_92], %swap3A_95 {strides = array<i32>} : memref<480xf32, #tpu.memory_space<vmem>>, vector<16xf32>,
    %swap3A_96 = arith.constant 160 : index
    %swap3A_97 = tpu.vector_load %arg7[%swap3A_96] {strides = array<i32>} : memref<480xf32, #tpu.memory_space<vmem>>, vector<16xf32>,
    %swap3A_98 = vector.shape_cast %swap3A_97 : vector<16xf32> to vector<16xf32>
    %swap3A_99 = vector.shape_cast %scan3A_15#10 : vector<16xf32> to vector<16xf32>
    tpu.vector_store %arg7[%swap3A_96], %swap3A_99 {strides = array<i32>} : memref<480xf32, #tpu.memory_space<vmem>>, vector<16xf32>,
    %swap3A_100 = arith.constant 400 : index
    %swap3A_101 = tpu.vector_load %arg7[%swap3A_100] {strides = array<i32>} : memref<480xf32, #tpu.memory_space<vmem>>, vector<16xf32>,
    %swap3A_102 = vector.shape_cast %swap3A_101 : vector<16xf32> to vector<16xf32>
    %swap3A_103 = vector.shape_cast %scan3A_15#25 : vector<16xf32> to vector<16xf32>
    tpu.vector_store %arg7[%swap3A_100], %swap3A_103 {strides = array<i32>} : memref<480xf32, #tpu.memory_space<vmem>>, vector<16xf32>,
    %swap3A_104 = arith.constant 176 : index
    %swap3A_105 = tpu.vector_load %arg7[%swap3A_104] {strides = array<i32>} : memref<480xf32, #tpu.memory_space<vmem>>, vector<16xf32>,
    %swap3A_106 = vector.shape_cast %swap3A_105 : vector<16xf32> to vector<16xf32>
    %swap3A_107 = vector.shape_cast %scan3A_15#11 : vector<16xf32> to vector<16xf32>
    tpu.vector_store %arg7[%swap3A_104], %swap3A_107 {strides = array<i32>} : memref<480xf32, #tpu.memory_space<vmem>>, vector<16xf32>,
    %swap3A_108 = arith.constant 416 : index
    %swap3A_109 = tpu.vector_load %arg7[%swap3A_108] {strides = array<i32>} : memref<480xf32, #tpu.memory_space<vmem>>, vector<16xf32>,
    %swap3A_110 = vector.shape_cast %swap3A_109 : vector<16xf32> to vector<16xf32>
    %swap3A_111 = vector.shape_cast %scan3A_15#26 : vector<16xf32> to vector<16xf32>
    tpu.vector_store %arg7[%swap3A_108], %swap3A_111 {strides = array<i32>} : memref<480xf32, #tpu.memory_space<vmem>>, vector<16xf32>,
    %swap3A_112 = arith.constant 192 : index
    %swap3A_113 = tpu.vector_load %arg7[%swap3A_112] {strides = array<i32>} : memref<480xf32, #tpu.memory_space<vmem>>, vector<16xf32>,
    %swap3A_114 = vector.shape_cast %swap3A_113 : vector<16xf32> to vector<16xf32>
    %swap3A_115 = vector.shape_cast %scan3A_15#12 : vector<16xf32> to vector<16xf32>
    tpu.vector_store %arg7[%swap3A_112], %swap3A_115 {strides = array<i32>} : memref<480xf32, #tpu.memory_space<vmem>>, vector<16xf32>,
    %swap3A_116 = arith.constant 432 : index
    %swap3A_117 = tpu.vector_load %arg7[%swap3A_116] {strides = array<i32>} : memref<480xf32, #tpu.memory_space<vmem>>, vector<16xf32>,
    %swap3A_118 = vector.shape_cast %swap3A_117 : vector<16xf32> to vector<16xf32>
    %swap3A_119 = vector.shape_cast %scan3A_15#27 : vector<16xf32> to vector<16xf32>
    tpu.vector_store %arg7[%swap3A_116], %swap3A_119 {strides = array<i32>} : memref<480xf32, #tpu.memory_space<vmem>>, vector<16xf32>,
    %swap3A_120 = arith.constant 208 : index
    %swap3A_121 = tpu.vector_load %arg7[%swap3A_120] {strides = array<i32>} : memref<480xf32, #tpu.memory_space<vmem>>, vector<16xf32>,
    %swap3A_122 = vector.shape_cast %swap3A_121 : vector<16xf32> to vector<16xf32>
    %swap3A_123 = vector.shape_cast %scan3A_15#13 : vector<16xf32> to vector<16xf32>
    tpu.vector_store %arg7[%swap3A_120], %swap3A_123 {strides = array<i32>} : memref<480xf32, #tpu.memory_space<vmem>>, vector<16xf32>,
    %swap3A_124 = arith.constant 448 : index
    %swap3A_125 = tpu.vector_load %arg7[%swap3A_124] {strides = array<i32>} : memref<480xf32, #tpu.memory_space<vmem>>, vector<16xf32>,
    %swap3A_126 = vector.shape_cast %swap3A_125 : vector<16xf32> to vector<16xf32>
    %swap3A_127 = vector.shape_cast %scan3A_15#28 : vector<16xf32> to vector<16xf32>
    tpu.vector_store %arg7[%swap3A_124], %swap3A_127 {strides = array<i32>} : memref<480xf32, #tpu.memory_space<vmem>>, vector<16xf32>,
    %swap3A_128 = arith.constant 224 : index
    %swap3A_129 = tpu.vector_load %arg7[%swap3A_128] {strides = array<i32>} : memref<480xf32, #tpu.memory_space<vmem>>, vector<16xf32>,
    %swap3A_130 = vector.shape_cast %swap3A_129 : vector<16xf32> to vector<16xf32>
    %swap3A_131 = vector.shape_cast %scan3A_15#14 : vector<16xf32> to vector<16xf32>
    tpu.vector_store %arg7[%swap3A_128], %swap3A_131 {strides = array<i32>} : memref<480xf32, #tpu.memory_space<vmem>>, vector<16xf32>,
    %swap3A_132 = arith.constant 464 : index
    %swap3A_133 = tpu.vector_load %arg7[%swap3A_132] {strides = array<i32>} : memref<480xf32, #tpu.memory_space<vmem>>, vector<16xf32>,
    %swap3A_134 = vector.shape_cast %swap3A_133 : vector<16xf32> to vector<16xf32>
    %swap3A_135 = vector.shape_cast %scan3A_15#29 : vector<16xf32> to vector<16xf32>
    tpu.vector_store %arg7[%swap3A_132], %swap3A_135 {strides = array<i32>} : memref<480xf32, #tpu.memory_space<vmem>>, vector<16xf32>,
    "tpu.region"() ({
      %run_scoped3A = tpu.sem_alloc : memref<!tpu.dma_semaphore, #tpu.memory_space<semaphore_mem>>
      %dma_start3A_136 = arith.constant 0 : i32
      %dma_start3A_137 = tpu.memref_slice %arg4[%add3A, %dma_start3A_136] : memref<32x480xf32, #tpu.memory_space<hbm>> -> memref<1x480xf32, #tpu.memory_space<hbm>>
      %dma_start3A_138 = tpu.memref_squeeze %dma_start3A_137 : memref<1x480xf32, #tpu.memory_space<hbm>> -> memref<480xf32, #tpu.memory_space<hbm>>
      %dma_start3A_139 = arith.constant 0 : i32
      %dma_start3A_140 = tpu.memref_slice %arg4[%add3A, %dma_start3A_139] : memref<32x480xf32, #tpu.memory_space<hbm>> -> memref<1x480xf32, #tpu.memory_space<hbm>>
      %dma_start3A_141 = tpu.memref_squeeze %dma_start3A_140 : memref<1x480xf32, #tpu.memory_space<hbm>> -> memref<480xf32, #tpu.memory_space<hbm>>
      tpu.enqueue_dma source(%arg7 : memref<480xf32, #tpu.memory_space<vmem>>) target(%dma_start3A_141 : memref<480xf32, #tpu.memory_space<hbm>>) target_semaphore(%run_scoped3A : memref<!tpu.dma_semaphore, #tpu.memory_space<semaphore_mem>>)
      %dma_wait3A_142 = arith.constant 0 : i32
      %dma_wait3A_143 = tpu.memref_slice %arg4[%add3A, %dma_wait3A_142] : memref<32x480xf32, #tpu.memory_space<hbm>> -> memref<1x480xf32, #tpu.memory_space<hbm>>
      %dma_wait3A_144 = tpu.memref_squeeze %dma_wait3A_143 : memref<1x480xf32, #tpu.memory_space<hbm>> -> memref<480xf32, #tpu.memory_space<hbm>>
      %dma_wait3A_145 = arith.constant 0 : i32
      %dma_wait3A_146 = tpu.memref_slice %arg4[%add3A, %dma_wait3A_145] : memref<32x480xf32, #tpu.memory_space<hbm>> -> memref<1x480xf32, #tpu.memory_space<hbm>>
      %dma_wait3A_147 = tpu.memref_squeeze %dma_wait3A_146 : memref<1x480xf32, #tpu.memory_space<hbm>> -> memref<480xf32, #tpu.memory_space<hbm>>
      tpu.wait_dma2 semaphore(%run_scoped3A : memref<!tpu.dma_semaphore, #tpu.memory_space<semaphore_mem>>) src(%arg7 : memref<480xf32, #tpu.memory_space<vmem>>) dst(%dma_wait3A_147 : memref<480xf32, #tpu.memory_space<hbm>>)
      tpu.yield
    }) : () -> ()
    return
  }
}

module attributes {stable_mosaic.version = 14 : i64} {
  func.func @_stage1_body(%arg0: i32, %arg1: memref<1000x2048xf32, #tpu.memory_space<vmem>>, %arg2: memref<1000x2048xf32, #tpu.memory_space<vmem>>, %arg3: memref<2048xf32, #tpu.memory_space<vmem>>, %arg4: memref<2048xf32, #tpu.memory_space<vmem>>) attributes {dimension_semantics = [#tpu.dimension_semantics<arbitrary>], iteration_bounds = array<i64: 32>, scalar_prefetch = 0 : i64, scratch_operands = 0 : i64, tpu.core_type = #tpu.core_type<tc>, window_params = [{transform_indices = @transform_0, window_bounds = array<i64: 1000, 2048>}, {transform_indices = @transform_1, window_bounds = array<i64: 1000, 2048>}, {transform_indices = @transform_2, window_bounds = array<i64: 2048>}, {transform_indices = @transform_3, window_bounds = array<i64: 2048>}]} {
    %get3A = arith.constant 0 : index
    %get3A_0 = arith.constant 0 : index
    %get3A_1 = vector.load %arg1[%get3A, %get3A_0] : memref<1000x2048xf32, #tpu.memory_space<vmem>>, vector<1000x2048xf32>
    %get3A_2 = arith.constant 0 : index
    %get3A_3 = arith.constant 0 : index
    %get3A_4 = vector.load %arg2[%get3A_2, %get3A_3] : memref<1000x2048xf32, #tpu.memory_space<vmem>>, vector<1000x2048xf32>
    %reduce_max3A = arith.constant dense<0xFF800000> : vector<2048xf32>
    %reduce_max3A_5 = vector.multi_reduction <maximumf>, %get3A_1, %reduce_max3A [0] : vector<1000x2048xf32> to vector<2048xf32>
    %broadcast_in_dim3A = vector.shape_cast %reduce_max3A_5 : vector<2048xf32> to vector<1x2048xf32>
    %reduce_max3A_6 = arith.constant dense<0xFF800000> : vector<2048xf32>
    %reduce_max3A_7 = vector.multi_reduction <maximumf>, %get3A_4, %reduce_max3A_6 [0] : vector<1000x2048xf32> to vector<2048xf32>
    %broadcast_in_dim3A_8 = vector.shape_cast %reduce_max3A_7 : vector<2048xf32> to vector<1x2048xf32>
    %ge3A = vector.broadcast %broadcast_in_dim3A : vector<1x2048xf32> to vector<1000x2048xf32>
    %ge3A_9 = arith.cmpf oge, %get3A_1, %ge3A : vector<1000x2048xf32>
    %ge3A_10 = vector.broadcast %broadcast_in_dim3A_8 : vector<1x2048xf32> to vector<1000x2048xf32>
    %ge3A_11 = arith.cmpf oge, %get3A_4, %ge3A_10 : vector<1000x2048xf32>
    %and3A = arith.andi %ge3A_9, %ge3A_11 : vector<1000x2048xi1>
    %reduce_or3A = arith.constant 1.000000e+00 : f32
    %reduce_or3A_12 = arith.constant 0.000000e+00 : f32
    %reduce_or3A_13 = vector.broadcast %reduce_or3A : f32 to vector<1000x2048xf32>
    %reduce_or3A_14 = vector.broadcast %reduce_or3A_12 : f32 to vector<1000x2048xf32>
    %reduce_or3A_15 = arith.select %and3A, %reduce_or3A_13, %reduce_or3A_14 : vector<1000x2048xi1>, vector<1000x2048xf32>
    %reduce_or3A_16 = arith.constant dense<0xFF800000> : vector<2048xf32>
    %reduce_or3A_17 = vector.multi_reduction <maximumf>, %reduce_or3A_15, %reduce_or3A_16 [0] : vector<1000x2048xf32> to vector<2048xf32>
    %reduce_or3A_18 = arith.constant 0.000000e+00 : f32
    %reduce_or3A_19 = vector.broadcast %reduce_or3A_18 : f32 to vector<2048xf32>
    %reduce_or3A_20 = arith.cmpf ogt, %reduce_or3A_17, %reduce_or3A_19 : vector<2048xf32>
    %convert_element_type3A = arith.extui %reduce_or3A_20 : vector<2048xi1> to vector<2048xi32>
    %convert_element_type3A_21 = arith.sitofp %convert_element_type3A : vector<2048xi32> to vector<2048xf32>
    %swap3A = arith.constant 0 : index
    %swap3A_22 = vector.load %arg4[%swap3A] : memref<2048xf32, #tpu.memory_space<vmem>>, vector<2048xf32>
    tpu.vector_store %arg4[%swap3A], %convert_element_type3A_21 {strides = array<i32>} : memref<2048xf32, #tpu.memory_space<vmem>>, vector<2048xf32>,
    %logistic3A = arith.negf %broadcast_in_dim3A : vector<1x2048xf32>
    %logistic3A_23 = math.exp %logistic3A : vector<1x2048xf32>
    %logistic3A_24 = arith.constant 1.000000e+00 : f32
    %logistic3A_25 = vector.broadcast %logistic3A_24 : f32 to vector<1x2048xf32>
    %logistic3A_26 = arith.addf %logistic3A_25, %logistic3A_23 : vector<1x2048xf32>
    %logistic3A_27 = arith.divf %logistic3A_25, %logistic3A_26 : vector<1x2048xf32>
    %reshape3A = vector.shape_cast %logistic3A_27 : vector<1x2048xf32> to vector<2048xf32>
    %swap3A_28 = arith.constant 0 : index
    %swap3A_29 = vector.load %arg3[%swap3A_28] : memref<2048xf32, #tpu.memory_space<vmem>>, vector<2048xf32>
    tpu.vector_store %arg3[%swap3A_28], %reshape3A {strides = array<i32>} : memref<2048xf32, #tpu.memory_space<vmem>>, vector<2048xf32>,
    return
  }
  func.func @transform_0(%arg0: i32) -> (i32, i32) {
    %c0_i32 = arith.constant 0 : i32
    %c0_i32_0 = arith.constant 0 : i32
    return %c0_i32, %arg0 : i32, i32
  }
  func.func @transform_1(%arg0: i32) -> (i32, i32) {
    %c0_i32 = arith.constant 0 : i32
    %c0_i32_0 = arith.constant 0 : i32
    return %c0_i32, %arg0 : i32, i32
  }
  func.func @transform_2(%arg0: i32) -> i32 {
    %c0_i32 = arith.constant 0 : i32
    return %arg0 : i32
  }
  func.func @transform_3(%arg0: i32) -> i32 {
    %c0_i32 = arith.constant 0 : i32
    return %arg0 : i32
  }
}

module attributes {stable_mosaic.version = 14 : i64} {
  func.func @_stage3_body(%arg0: memref<32x480xf32, #tpu.memory_space<vmem>>, %arg1: memref<1x1xf32, #tpu.memory_space<vmem>>) attributes {dimension_semantics = [], scalar_prefetch = 0 : i64, scratch_operands = 0 : i64, tpu.core_type = #tpu.core_type<tc>} {
    %get3A = arith.constant 0 : index
    %get3A_0 = arith.constant 0 : index
    %get3A_1 = vector.load %arg0[%get3A, %get3A_0] : memref<32x480xf32, #tpu.memory_space<vmem>>, vector<32x480xf32>
    %slice3A = vector.extract_strided_slice %get3A_1 {offsets = [0, 0], sizes = [32, 240], strides = [1, 1]} : vector<32x480xf32> to vector<32x240xf32>
    %mul3A = arith.constant 2.44140625E-4 : f32
    %mul3A_2 = vector.broadcast %mul3A : f32 to vector<32x240xf32>
    %mul3A_3 = arith.mulf %slice3A, %mul3A_2 : vector<32x240xf32>
    %floor3A = math.floor %mul3A_3 : vector<32x240xf32>
    %mul3A_4 = arith.constant 4.096000e+03 : f32
    %mul3A_5 = vector.broadcast %mul3A_4 : f32 to vector<32x240xf32>
    %mul3A_6 = arith.mulf %mul3A_5, %floor3A : vector<32x240xf32>
    %sub3A = arith.subf %slice3A, %mul3A_6 : vector<32x240xf32>
    %reduce_sum3A = arith.constant dense<0.000000e+00> : vector<240xf32>
    %reduce_sum3A_7 = vector.multi_reduction <add>, %sub3A, %reduce_sum3A [0] : vector<32x240xf32> to vector<240xf32>
    %broadcast_in_dim3A = vector.shape_cast %reduce_sum3A_7 : vector<240xf32> to vector<1x240xf32>
    %reduce_sum3A_8 = arith.constant dense<0.000000e+00> : vector<240xf32>
    %reduce_sum3A_9 = vector.multi_reduction <add>, %floor3A, %reduce_sum3A_8 [0] : vector<32x240xf32> to vector<240xf32>
    %broadcast_in_dim3A_10 = vector.shape_cast %reduce_sum3A_9 : vector<240xf32> to vector<1x240xf32>
    %slice3A_11 = vector.extract_strided_slice %get3A_1 {offsets = [0, 240], sizes = [32, 240], strides = [1, 1]} : vector<32x480xf32> to vector<32x240xf32>
    %reduce_sum3A_12 = arith.constant dense<0.000000e+00> : vector<240xf32>
    %reduce_sum3A_13 = vector.multi_reduction <add>, %slice3A_11, %reduce_sum3A_12 [0] : vector<32x240xf32> to vector<240xf32>
    %broadcast_in_dim3A_14 = vector.shape_cast %reduce_sum3A_13 : vector<240xf32> to vector<1x240xf32>
    %slice3A_15 = vector.extract_strided_slice %broadcast_in_dim3A {offsets = [0, 0], sizes = [1, 16], strides = [1, 1]} : vector<1x240xf32> to vector<1x16xf32>
    %reduce_sum3A_16 = arith.constant dense<0.000000e+00> : vector<1xf32>
    %reduce_sum3A_17 = vector.multi_reduction <add>, %slice3A_15, %reduce_sum3A_16 [1] : vector<1x16xf32> to vector<1xf32>
    %broadcast_in_dim3A_18 = vector.shape_cast %reduce_sum3A_17 : vector<1xf32> to vector<1x1xf32>
    %slice3A_19 = vector.extract_strided_slice %broadcast_in_dim3A {offsets = [0, 16], sizes = [1, 16], strides = [1, 1]} : vector<1x240xf32> to vector<1x16xf32>
    %reduce_sum3A_20 = arith.constant dense<0.000000e+00> : vector<1xf32>
    %reduce_sum3A_21 = vector.multi_reduction <add>, %slice3A_19, %reduce_sum3A_20 [1] : vector<1x16xf32> to vector<1xf32>
    %broadcast_in_dim3A_22 = vector.shape_cast %reduce_sum3A_21 : vector<1xf32> to vector<1x1xf32>
    %slice3A_23 = vector.extract_strided_slice %broadcast_in_dim3A {offsets = [0, 32], sizes = [1, 16], strides = [1, 1]} : vector<1x240xf32> to vector<1x16xf32>
    %reduce_sum3A_24 = arith.constant dense<0.000000e+00> : vector<1xf32>
    %reduce_sum3A_25 = vector.multi_reduction <add>, %slice3A_23, %reduce_sum3A_24 [1] : vector<1x16xf32> to vector<1xf32>
    %broadcast_in_dim3A_26 = vector.shape_cast %reduce_sum3A_25 : vector<1xf32> to vector<1x1xf32>
    %slice3A_27 = vector.extract_strided_slice %broadcast_in_dim3A {offsets = [0, 48], sizes = [1, 16], strides = [1, 1]} : vector<1x240xf32> to vector<1x16xf32>
    %reduce_sum3A_28 = arith.constant dense<0.000000e+00> : vector<1xf32>
    %reduce_sum3A_29 = vector.multi_reduction <add>, %slice3A_27, %reduce_sum3A_28 [1] : vector<1x16xf32> to vector<1xf32>
    %broadcast_in_dim3A_30 = vector.shape_cast %reduce_sum3A_29 : vector<1xf32> to vector<1x1xf32>
    %slice3A_31 = vector.extract_strided_slice %broadcast_in_dim3A {offsets = [0, 64], sizes = [1, 16], strides = [1, 1]} : vector<1x240xf32> to vector<1x16xf32>
    %reduce_sum3A_32 = arith.constant dense<0.000000e+00> : vector<1xf32>
    %reduce_sum3A_33 = vector.multi_reduction <add>, %slice3A_31, %reduce_sum3A_32 [1] : vector<1x16xf32> to vector<1xf32>
    %broadcast_in_dim3A_34 = vector.shape_cast %reduce_sum3A_33 : vector<1xf32> to vector<1x1xf32>
    %slice3A_35 = vector.extract_strided_slice %broadcast_in_dim3A {offsets = [0, 80], sizes = [1, 16], strides = [1, 1]} : vector<1x240xf32> to vector<1x16xf32>
    %reduce_sum3A_36 = arith.constant dense<0.000000e+00> : vector<1xf32>
    %reduce_sum3A_37 = vector.multi_reduction <add>, %slice3A_35, %reduce_sum3A_36 [1] : vector<1x16xf32> to vector<1xf32>
    %broadcast_in_dim3A_38 = vector.shape_cast %reduce_sum3A_37 : vector<1xf32> to vector<1x1xf32>
    %slice3A_39 = vector.extract_strided_slice %broadcast_in_dim3A {offsets = [0, 96], sizes = [1, 16], strides = [1, 1]} : vector<1x240xf32> to vector<1x16xf32>
    %reduce_sum3A_40 = arith.constant dense<0.000000e+00> : vector<1xf32>
    %reduce_sum3A_41 = vector.multi_reduction <add>, %slice3A_39, %reduce_sum3A_40 [1] : vector<1x16xf32> to vector<1xf32>
    %broadcast_in_dim3A_42 = vector.shape_cast %reduce_sum3A_41 : vector<1xf32> to vector<1x1xf32>
    %slice3A_43 = vector.extract_strided_slice %broadcast_in_dim3A {offsets = [0, 112], sizes = [1, 16], strides = [1, 1]} : vector<1x240xf32> to vector<1x16xf32>
    %reduce_sum3A_44 = arith.constant dense<0.000000e+00> : vector<1xf32>
    %reduce_sum3A_45 = vector.multi_reduction <add>, %slice3A_43, %reduce_sum3A_44 [1] : vector<1x16xf32> to vector<1xf32>
    %broadcast_in_dim3A_46 = vector.shape_cast %reduce_sum3A_45 : vector<1xf32> to vector<1x1xf32>
    %slice3A_47 = vector.extract_strided_slice %broadcast_in_dim3A {offsets = [0, 128], sizes = [1, 16], strides = [1, 1]} : vector<1x240xf32> to vector<1x16xf32>
    %reduce_sum3A_48 = arith.constant dense<0.000000e+00> : vector<1xf32>
    %reduce_sum3A_49 = vector.multi_reduction <add>, %slice3A_47, %reduce_sum3A_48 [1] : vector<1x16xf32> to vector<1xf32>
    %broadcast_in_dim3A_50 = vector.shape_cast %reduce_sum3A_49 : vector<1xf32> to vector<1x1xf32>
    %slice3A_51 = vector.extract_strided_slice %broadcast_in_dim3A {offsets = [0, 144], sizes = [1, 16], strides = [1, 1]} : vector<1x240xf32> to vector<1x16xf32>
    %reduce_sum3A_52 = arith.constant dense<0.000000e+00> : vector<1xf32>
    %reduce_sum3A_53 = vector.multi_reduction <add>, %slice3A_51, %reduce_sum3A_52 [1] : vector<1x16xf32> to vector<1xf32>
    %broadcast_in_dim3A_54 = vector.shape_cast %reduce_sum3A_53 : vector<1xf32> to vector<1x1xf32>
    %slice3A_55 = vector.extract_strided_slice %broadcast_in_dim3A {offsets = [0, 160], sizes = [1, 16], strides = [1, 1]} : vector<1x240xf32> to vector<1x16xf32>
    %reduce_sum3A_56 = arith.constant dense<0.000000e+00> : vector<1xf32>
    %reduce_sum3A_57 = vector.multi_reduction <add>, %slice3A_55, %reduce_sum3A_56 [1] : vector<1x16xf32> to vector<1xf32>
    %broadcast_in_dim3A_58 = vector.shape_cast %reduce_sum3A_57 : vector<1xf32> to vector<1x1xf32>
    %slice3A_59 = vector.extract_strided_slice %broadcast_in_dim3A {offsets = [0, 176], sizes = [1, 16], strides = [1, 1]} : vector<1x240xf32> to vector<1x16xf32>
    %reduce_sum3A_60 = arith.constant dense<0.000000e+00> : vector<1xf32>
    %reduce_sum3A_61 = vector.multi_reduction <add>, %slice3A_59, %reduce_sum3A_60 [1] : vector<1x16xf32> to vector<1xf32>
    %broadcast_in_dim3A_62 = vector.shape_cast %reduce_sum3A_61 : vector<1xf32> to vector<1x1xf32>
    %slice3A_63 = vector.extract_strided_slice %broadcast_in_dim3A {offsets = [0, 192], sizes = [1, 16], strides = [1, 1]} : vector<1x240xf32> to vector<1x16xf32>
    %reduce_sum3A_64 = arith.constant dense<0.000000e+00> : vector<1xf32>
    %reduce_sum3A_65 = vector.multi_reduction <add>, %slice3A_63, %reduce_sum3A_64 [1] : vector<1x16xf32> to vector<1xf32>
    %broadcast_in_dim3A_66 = vector.shape_cast %reduce_sum3A_65 : vector<1xf32> to vector<1x1xf32>
    %slice3A_67 = vector.extract_strided_slice %broadcast_in_dim3A {offsets = [0, 208], sizes = [1, 16], strides = [1, 1]} : vector<1x240xf32> to vector<1x16xf32>
    %reduce_sum3A_68 = arith.constant dense<0.000000e+00> : vector<1xf32>
    %reduce_sum3A_69 = vector.multi_reduction <add>, %slice3A_67, %reduce_sum3A_68 [1] : vector<1x16xf32> to vector<1xf32>
    %broadcast_in_dim3A_70 = vector.shape_cast %reduce_sum3A_69 : vector<1xf32> to vector<1x1xf32>
    %slice3A_71 = vector.extract_strided_slice %broadcast_in_dim3A {offsets = [0, 224], sizes = [1, 16], strides = [1, 1]} : vector<1x240xf32> to vector<1x16xf32>
    %reduce_sum3A_72 = arith.constant dense<0.000000e+00> : vector<1xf32>
    %reduce_sum3A_73 = vector.multi_reduction <add>, %slice3A_71, %reduce_sum3A_72 [1] : vector<1x16xf32> to vector<1xf32>
    %broadcast_in_dim3A_74 = vector.shape_cast %reduce_sum3A_73 : vector<1xf32> to vector<1x1xf32>
    %concatenate3A = tpu.concatenate %broadcast_in_dim3A_18, %broadcast_in_dim3A_22, %broadcast_in_dim3A_26, %broadcast_in_dim3A_30, %broadcast_in_dim3A_34, %broadcast_in_dim3A_38, %broadcast_in_dim3A_42, %broadcast_in_dim3A_46, %broadcast_in_dim3A_50, %broadcast_in_dim3A_54, %broadcast_in_dim3A_58, %broadcast_in_dim3A_62, %broadcast_in_dim3A_66, %broadcast_in_dim3A_70, %broadcast_in_dim3A_74 in 1 : vector<1x1xf32>, vector<1x1xf32>, vector<1x1xf32>, vector<1x1xf32>, vector<1x1xf32>, vector<1x1xf32>, vector<1x1xf32>, vector<1x1xf32>, vector<1x1xf32>, vector<1x1xf32>, vector<1x1xf32>, vector<1x1xf32>, vector<1x1xf32>, vector<1x1xf32>, vector<1x1xf32> -> vector<1x15xf32>
    %slice3A_75 = vector.extract_strided_slice %broadcast_in_dim3A_14 {offsets = [0, 0], sizes = [1, 16], strides = [1, 1]} : vector<1x240xf32> to vector<1x16xf32>
    %reduce_sum3A_76 = arith.constant dense<0.000000e+00> : vector<1xf32>
    %reduce_sum3A_77 = vector.multi_reduction <add>, %slice3A_75, %reduce_sum3A_76 [1] : vector<1x16xf32> to vector<1xf32>
    %broadcast_in_dim3A_78 = vector.shape_cast %reduce_sum3A_77 : vector<1xf32> to vector<1x1xf32>
    %slice3A_79 = vector.extract_strided_slice %broadcast_in_dim3A_14 {offsets = [0, 16], sizes = [1, 16], strides = [1, 1]} : vector<1x240xf32> to vector<1x16xf32>
    %reduce_sum3A_80 = arith.constant dense<0.000000e+00> : vector<1xf32>
    %reduce_sum3A_81 = vector.multi_reduction <add>, %slice3A_79, %reduce_sum3A_80 [1] : vector<1x16xf32> to vector<1xf32>
    %broadcast_in_dim3A_82 = vector.shape_cast %reduce_sum3A_81 : vector<1xf32> to vector<1x1xf32>
    %slice3A_83 = vector.extract_strided_slice %broadcast_in_dim3A_14 {offsets = [0, 32], sizes = [1, 16], strides = [1, 1]} : vector<1x240xf32> to vector<1x16xf32>
    %reduce_sum3A_84 = arith.constant dense<0.000000e+00> : vector<1xf32>
    %reduce_sum3A_85 = vector.multi_reduction <add>, %slice3A_83, %reduce_sum3A_84 [1] : vector<1x16xf32> to vector<1xf32>
    %broadcast_in_dim3A_86 = vector.shape_cast %reduce_sum3A_85 : vector<1xf32> to vector<1x1xf32>
    %slice3A_87 = vector.extract_strided_slice %broadcast_in_dim3A_14 {offsets = [0, 48], sizes = [1, 16], strides = [1, 1]} : vector<1x240xf32> to vector<1x16xf32>
    %reduce_sum3A_88 = arith.constant dense<0.000000e+00> : vector<1xf32>
    %reduce_sum3A_89 = vector.multi_reduction <add>, %slice3A_87, %reduce_sum3A_88 [1] : vector<1x16xf32> to vector<1xf32>
    %broadcast_in_dim3A_90 = vector.shape_cast %reduce_sum3A_89 : vector<1xf32> to vector<1x1xf32>
    %slice3A_91 = vector.extract_strided_slice %broadcast_in_dim3A_14 {offsets = [0, 64], sizes = [1, 16], strides = [1, 1]} : vector<1x240xf32> to vector<1x16xf32>
    %reduce_sum3A_92 = arith.constant dense<0.000000e+00> : vector<1xf32>
    %reduce_sum3A_93 = vector.multi_reduction <add>, %slice3A_91, %reduce_sum3A_92 [1] : vector<1x16xf32> to vector<1xf32>
    %broadcast_in_dim3A_94 = vector.shape_cast %reduce_sum3A_93 : vector<1xf32> to vector<1x1xf32>
    %slice3A_95 = vector.extract_strided_slice %broadcast_in_dim3A_14 {offsets = [0, 80], sizes = [1, 16], strides = [1, 1]} : vector<1x240xf32> to vector<1x16xf32>
    %reduce_sum3A_96 = arith.constant dense<0.000000e+00> : vector<1xf32>
    %reduce_sum3A_97 = vector.multi_reduction <add>, %slice3A_95, %reduce_sum3A_96 [1] : vector<1x16xf32> to vector<1xf32>
    %broadcast_in_dim3A_98 = vector.shape_cast %reduce_sum3A_97 : vector<1xf32> to vector<1x1xf32>
    %slice3A_99 = vector.extract_strided_slice %broadcast_in_dim3A_14 {offsets = [0, 96], sizes = [1, 16], strides = [1, 1]} : vector<1x240xf32> to vector<1x16xf32>
    %reduce_sum3A_100 = arith.constant dense<0.000000e+00> : vector<1xf32>
    %reduce_sum3A_101 = vector.multi_reduction <add>, %slice3A_99, %reduce_sum3A_100 [1] : vector<1x16xf32> to vector<1xf32>
    %broadcast_in_dim3A_102 = vector.shape_cast %reduce_sum3A_101 : vector<1xf32> to vector<1x1xf32>
    %slice3A_103 = vector.extract_strided_slice %broadcast_in_dim3A_14 {offsets = [0, 112], sizes = [1, 16], strides = [1, 1]} : vector<1x240xf32> to vector<1x16xf32>
    %reduce_sum3A_104 = arith.constant dense<0.000000e+00> : vector<1xf32>
    %reduce_sum3A_105 = vector.multi_reduction <add>, %slice3A_103, %reduce_sum3A_104 [1] : vector<1x16xf32> to vector<1xf32>
    %broadcast_in_dim3A_106 = vector.shape_cast %reduce_sum3A_105 : vector<1xf32> to vector<1x1xf32>
    %slice3A_107 = vector.extract_strided_slice %broadcast_in_dim3A_14 {offsets = [0, 128], sizes = [1, 16], strides = [1, 1]} : vector<1x240xf32> to vector<1x16xf32>
    %reduce_sum3A_108 = arith.constant dense<0.000000e+00> : vector<1xf32>
    %reduce_sum3A_109 = vector.multi_reduction <add>, %slice3A_107, %reduce_sum3A_108 [1] : vector<1x16xf32> to vector<1xf32>
    %broadcast_in_dim3A_110 = vector.shape_cast %reduce_sum3A_109 : vector<1xf32> to vector<1x1xf32>
    %slice3A_111 = vector.extract_strided_slice %broadcast_in_dim3A_14 {offsets = [0, 144], sizes = [1, 16], strides = [1, 1]} : vector<1x240xf32> to vector<1x16xf32>
    %reduce_sum3A_112 = arith.constant dense<0.000000e+00> : vector<1xf32>
    %reduce_sum3A_113 = vector.multi_reduction <add>, %slice3A_111, %reduce_sum3A_112 [1] : vector<1x16xf32> to vector<1xf32>
    %broadcast_in_dim3A_114 = vector.shape_cast %reduce_sum3A_113 : vector<1xf32> to vector<1x1xf32>
    %slice3A_115 = vector.extract_strided_slice %broadcast_in_dim3A_14 {offsets = [0, 160], sizes = [1, 16], strides = [1, 1]} : vector<1x240xf32> to vector<1x16xf32>
    %reduce_sum3A_116 = arith.constant dense<0.000000e+00> : vector<1xf32>
    %reduce_sum3A_117 = vector.multi_reduction <add>, %slice3A_115, %reduce_sum3A_116 [1] : vector<1x16xf32> to vector<1xf32>
    %broadcast_in_dim3A_118 = vector.shape_cast %reduce_sum3A_117 : vector<1xf32> to vector<1x1xf32>
    %slice3A_119 = vector.extract_strided_slice %broadcast_in_dim3A_14 {offsets = [0, 176], sizes = [1, 16], strides = [1, 1]} : vector<1x240xf32> to vector<1x16xf32>
    %reduce_sum3A_120 = arith.constant dense<0.000000e+00> : vector<1xf32>
    %reduce_sum3A_121 = vector.multi_reduction <add>, %slice3A_119, %reduce_sum3A_120 [1] : vector<1x16xf32> to vector<1xf32>
    %broadcast_in_dim3A_122 = vector.shape_cast %reduce_sum3A_121 : vector<1xf32> to vector<1x1xf32>
    %slice3A_123 = vector.extract_strided_slice %broadcast_in_dim3A_14 {offsets = [0, 192], sizes = [1, 16], strides = [1, 1]} : vector<1x240xf32> to vector<1x16xf32>
    %reduce_sum3A_124 = arith.constant dense<0.000000e+00> : vector<1xf32>
    %reduce_sum3A_125 = vector.multi_reduction <add>, %slice3A_123, %reduce_sum3A_124 [1] : vector<1x16xf32> to vector<1xf32>
    %broadcast_in_dim3A_126 = vector.shape_cast %reduce_sum3A_125 : vector<1xf32> to vector<1x1xf32>
    %slice3A_127 = vector.extract_strided_slice %broadcast_in_dim3A_14 {offsets = [0, 208], sizes = [1, 16], strides = [1, 1]} : vector<1x240xf32> to vector<1x16xf32>
    %reduce_sum3A_128 = arith.constant dense<0.000000e+00> : vector<1xf32>
    %reduce_sum3A_129 = vector.multi_reduction <add>, %slice3A_127, %reduce_sum3A_128 [1] : vector<1x16xf32> to vector<1xf32>
    %broadcast_in_dim3A_130 = vector.shape_cast %reduce_sum3A_129 : vector<1xf32> to vector<1x1xf32>
    %slice3A_131 = vector.extract_strided_slice %broadcast_in_dim3A_14 {offsets = [0, 224], sizes = [1, 16], strides = [1, 1]} : vector<1x240xf32> to vector<1x16xf32>
    %reduce_sum3A_132 = arith.constant dense<0.000000e+00> : vector<1xf32>
    %reduce_sum3A_133 = vector.multi_reduction <add>, %slice3A_131, %reduce_sum3A_132 [1] : vector<1x16xf32> to vector<1xf32>
    %broadcast_in_dim3A_134 = vector.shape_cast %reduce_sum3A_133 : vector<1xf32> to vector<1x1xf32>
    %concatenate3A_135 = tpu.concatenate %broadcast_in_dim3A_78, %broadcast_in_dim3A_82, %broadcast_in_dim3A_86, %broadcast_in_dim3A_90, %broadcast_in_dim3A_94, %broadcast_in_dim3A_98, %broadcast_in_dim3A_102, %broadcast_in_dim3A_106, %broadcast_in_dim3A_110, %broadcast_in_dim3A_114, %broadcast_in_dim3A_118, %broadcast_in_dim3A_122, %broadcast_in_dim3A_126, %broadcast_in_dim3A_130, %broadcast_in_dim3A_134 in 1 : vector<1x1xf32>, vector<1x1xf32>, vector<1x1xf32>, vector<1x1xf32>, vector<1x1xf32>, vector<1x1xf32>, vector<1x1xf32>, vector<1x1xf32>, vector<1x1xf32>, vector<1x1xf32>, vector<1x1xf32>, vector<1x1xf32>, vector<1x1xf32>, vector<1x1xf32>, vector<1x1xf32> -> vector<1x15xf32>
    %slice3A_136 = vector.extract_strided_slice %broadcast_in_dim3A_10 {offsets = [0, 0], sizes = [1, 16], strides = [1, 1]} : vector<1x240xf32> to vector<1x16xf32>
    %reduce_sum3A_137 = arith.constant dense<0.000000e+00> : vector<1xf32>
    %reduce_sum3A_138 = vector.multi_reduction <add>, %slice3A_136, %reduce_sum3A_137 [1] : vector<1x16xf32> to vector<1xf32>
    %broadcast_in_dim3A_139 = vector.shape_cast %reduce_sum3A_138 : vector<1xf32> to vector<1x1xf32>
    %slice3A_140 = vector.extract_strided_slice %broadcast_in_dim3A_10 {offsets = [0, 16], sizes = [1, 16], strides = [1, 1]} : vector<1x240xf32> to vector<1x16xf32>
    %reduce_sum3A_141 = arith.constant dense<0.000000e+00> : vector<1xf32>
    %reduce_sum3A_142 = vector.multi_reduction <add>, %slice3A_140, %reduce_sum3A_141 [1] : vector<1x16xf32> to vector<1xf32>
    %broadcast_in_dim3A_143 = vector.shape_cast %reduce_sum3A_142 : vector<1xf32> to vector<1x1xf32>
    %slice3A_144 = vector.extract_strided_slice %broadcast_in_dim3A_10 {offsets = [0, 32], sizes = [1, 16], strides = [1, 1]} : vector<1x240xf32> to vector<1x16xf32>
    %reduce_sum3A_145 = arith.constant dense<0.000000e+00> : vector<1xf32>
    %reduce_sum3A_146 = vector.multi_reduction <add>, %slice3A_144, %reduce_sum3A_145 [1] : vector<1x16xf32> to vector<1xf32>
    %broadcast_in_dim3A_147 = vector.shape_cast %reduce_sum3A_146 : vector<1xf32> to vector<1x1xf32>
    %slice3A_148 = vector.extract_strided_slice %broadcast_in_dim3A_10 {offsets = [0, 48], sizes = [1, 16], strides = [1, 1]} : vector<1x240xf32> to vector<1x16xf32>
    %reduce_sum3A_149 = arith.constant dense<0.000000e+00> : vector<1xf32>
    %reduce_sum3A_150 = vector.multi_reduction <add>, %slice3A_148, %reduce_sum3A_149 [1] : vector<1x16xf32> to vector<1xf32>
    %broadcast_in_dim3A_151 = vector.shape_cast %reduce_sum3A_150 : vector<1xf32> to vector<1x1xf32>
    %slice3A_152 = vector.extract_strided_slice %broadcast_in_dim3A_10 {offsets = [0, 64], sizes = [1, 16], strides = [1, 1]} : vector<1x240xf32> to vector<1x16xf32>
    %reduce_sum3A_153 = arith.constant dense<0.000000e+00> : vector<1xf32>
    %reduce_sum3A_154 = vector.multi_reduction <add>, %slice3A_152, %reduce_sum3A_153 [1] : vector<1x16xf32> to vector<1xf32>
    %broadcast_in_dim3A_155 = vector.shape_cast %reduce_sum3A_154 : vector<1xf32> to vector<1x1xf32>
    %slice3A_156 = vector.extract_strided_slice %broadcast_in_dim3A_10 {offsets = [0, 80], sizes = [1, 16], strides = [1, 1]} : vector<1x240xf32> to vector<1x16xf32>
    %reduce_sum3A_157 = arith.constant dense<0.000000e+00> : vector<1xf32>
    %reduce_sum3A_158 = vector.multi_reduction <add>, %slice3A_156, %reduce_sum3A_157 [1] : vector<1x16xf32> to vector<1xf32>
    %broadcast_in_dim3A_159 = vector.shape_cast %reduce_sum3A_158 : vector<1xf32> to vector<1x1xf32>
    %slice3A_160 = vector.extract_strided_slice %broadcast_in_dim3A_10 {offsets = [0, 96], sizes = [1, 16], strides = [1, 1]} : vector<1x240xf32> to vector<1x16xf32>
    %reduce_sum3A_161 = arith.constant dense<0.000000e+00> : vector<1xf32>
    %reduce_sum3A_162 = vector.multi_reduction <add>, %slice3A_160, %reduce_sum3A_161 [1] : vector<1x16xf32> to vector<1xf32>
    %broadcast_in_dim3A_163 = vector.shape_cast %reduce_sum3A_162 : vector<1xf32> to vector<1x1xf32>
    %slice3A_164 = vector.extract_strided_slice %broadcast_in_dim3A_10 {offsets = [0, 112], sizes = [1, 16], strides = [1, 1]} : vector<1x240xf32> to vector<1x16xf32>
    %reduce_sum3A_165 = arith.constant dense<0.000000e+00> : vector<1xf32>
    %reduce_sum3A_166 = vector.multi_reduction <add>, %slice3A_164, %reduce_sum3A_165 [1] : vector<1x16xf32> to vector<1xf32>
    %broadcast_in_dim3A_167 = vector.shape_cast %reduce_sum3A_166 : vector<1xf32> to vector<1x1xf32>
    %slice3A_168 = vector.extract_strided_slice %broadcast_in_dim3A_10 {offsets = [0, 128], sizes = [1, 16], strides = [1, 1]} : vector<1x240xf32> to vector<1x16xf32>
    %reduce_sum3A_169 = arith.constant dense<0.000000e+00> : vector<1xf32>
    %reduce_sum3A_170 = vector.multi_reduction <add>, %slice3A_168, %reduce_sum3A_169 [1] : vector<1x16xf32> to vector<1xf32>
    %broadcast_in_dim3A_171 = vector.shape_cast %reduce_sum3A_170 : vector<1xf32> to vector<1x1xf32>
    %slice3A_172 = vector.extract_strided_slice %broadcast_in_dim3A_10 {offsets = [0, 144], sizes = [1, 16], strides = [1, 1]} : vector<1x240xf32> to vector<1x16xf32>
    %reduce_sum3A_173 = arith.constant dense<0.000000e+00> : vector<1xf32>
    %reduce_sum3A_174 = vector.multi_reduction <add>, %slice3A_172, %reduce_sum3A_173 [1] : vector<1x16xf32> to vector<1xf32>
    %broadcast_in_dim3A_175 = vector.shape_cast %reduce_sum3A_174 : vector<1xf32> to vector<1x1xf32>
    %slice3A_176 = vector.extract_strided_slice %broadcast_in_dim3A_10 {offsets = [0, 160], sizes = [1, 16], strides = [1, 1]} : vector<1x240xf32> to vector<1x16xf32>
    %reduce_sum3A_177 = arith.constant dense<0.000000e+00> : vector<1xf32>
    %reduce_sum3A_178 = vector.multi_reduction <add>, %slice3A_176, %reduce_sum3A_177 [1] : vector<1x16xf32> to vector<1xf32>
    %broadcast_in_dim3A_179 = vector.shape_cast %reduce_sum3A_178 : vector<1xf32> to vector<1x1xf32>
    %slice3A_180 = vector.extract_strided_slice %broadcast_in_dim3A_10 {offsets = [0, 176], sizes = [1, 16], strides = [1, 1]} : vector<1x240xf32> to vector<1x16xf32>
    %reduce_sum3A_181 = arith.constant dense<0.000000e+00> : vector<1xf32>
    %reduce_sum3A_182 = vector.multi_reduction <add>, %slice3A_180, %reduce_sum3A_181 [1] : vector<1x16xf32> to vector<1xf32>
    %broadcast_in_dim3A_183 = vector.shape_cast %reduce_sum3A_182 : vector<1xf32> to vector<1x1xf32>
    %slice3A_184 = vector.extract_strided_slice %broadcast_in_dim3A_10 {offsets = [0, 192], sizes = [1, 16], strides = [1, 1]} : vector<1x240xf32> to vector<1x16xf32>
    %reduce_sum3A_185 = arith.constant dense<0.000000e+00> : vector<1xf32>
    %reduce_sum3A_186 = vector.multi_reduction <add>, %slice3A_184, %reduce_sum3A_185 [1] : vector<1x16xf32> to vector<1xf32>
    %broadcast_in_dim3A_187 = vector.shape_cast %reduce_sum3A_186 : vector<1xf32> to vector<1x1xf32>
    %slice3A_188 = vector.extract_strided_slice %broadcast_in_dim3A_10 {offsets = [0, 208], sizes = [1, 16], strides = [1, 1]} : vector<1x240xf32> to vector<1x16xf32>
    %reduce_sum3A_189 = arith.constant dense<0.000000e+00> : vector<1xf32>
    %reduce_sum3A_190 = vector.multi_reduction <add>, %slice3A_188, %reduce_sum3A_189 [1] : vector<1x16xf32> to vector<1xf32>
    %broadcast_in_dim3A_191 = vector.shape_cast %reduce_sum3A_190 : vector<1xf32> to vector<1x1xf32>
    %slice3A_192 = vector.extract_strided_slice %broadcast_in_dim3A_10 {offsets = [0, 224], sizes = [1, 16], strides = [1, 1]} : vector<1x240xf32> to vector<1x16xf32>
    %reduce_sum3A_193 = arith.constant dense<0.000000e+00> : vector<1xf32>
    %reduce_sum3A_194 = vector.multi_reduction <add>, %slice3A_192, %reduce_sum3A_193 [1] : vector<1x16xf32> to vector<1xf32>
    %broadcast_in_dim3A_195 = vector.shape_cast %reduce_sum3A_194 : vector<1xf32> to vector<1x1xf32>
    %concatenate3A_196 = tpu.concatenate %broadcast_in_dim3A_139, %broadcast_in_dim3A_143, %broadcast_in_dim3A_147, %broadcast_in_dim3A_151, %broadcast_in_dim3A_155, %broadcast_in_dim3A_159, %broadcast_in_dim3A_163, %broadcast_in_dim3A_167, %broadcast_in_dim3A_171, %broadcast_in_dim3A_175, %broadcast_in_dim3A_179, %broadcast_in_dim3A_183, %broadcast_in_dim3A_187, %broadcast_in_dim3A_191, %broadcast_in_dim3A_195 in 1 : vector<1x1xf32>, vector<1x1xf32>, vector<1x1xf32>, vector<1x1xf32>, vector<1x1xf32>, vector<1x1xf32>, vector<1x1xf32>, vector<1x1xf32>, vector<1x1xf32>, vector<1x1xf32>, vector<1x1xf32>, vector<1x1xf32>, vector<1x1xf32>, vector<1x1xf32>, vector<1x1xf32> -> vector<1x15xf32>
    %div3A = arith.constant 6.553600e+04 : f32
    %div3A_197 = vector.broadcast %div3A : f32 to vector<1x15xf32>
    %div3A_198 = arith.divf %concatenate3A, %div3A_197 : vector<1x15xf32>
    %max3A = arith.constant 1.000000e+00 : f32
    %max3A_199 = vector.broadcast %max3A : f32 to vector<1x15xf32>
    %max3A_200 = arith.maximumf %concatenate3A, %max3A_199 : vector<1x15xf32>
    %div3A_201 = arith.divf %concatenate3A_135, %max3A_200 : vector<1x15xf32>
    %div3A_202 = arith.divf %concatenate3A_196, %max3A_200 : vector<1x15xf32>
    %sub3A_203 = arith.subf %div3A_201, %div3A_202 : vector<1x15xf32>
    %abs3A = math.absf %sub3A_203 : vector<1x15xf32>
    %mul3A_204 = arith.mulf %abs3A, %div3A_198 : vector<1x15xf32>
    %gt3A = arith.constant 0.000000e+00 : f32
    %gt3A_205 = vector.broadcast %gt3A : f32 to vector<1x15xf32>
    %gt3A_206 = arith.cmpf ogt, %concatenate3A, %gt3A_205 : vector<1x15xf32>
    %jit3A = arith.constant 0.000000e+00 : f32
    %broadcast_in_dim3A_207 = vector.broadcast %jit3A : f32 to vector<1x15xf32>
    %select_n3A = arith.select %gt3A_206, %mul3A_204, %broadcast_in_dim3A_207 : vector<1x15xi1>, vector<1x15xf32>
    %reduce_sum3A_208 = arith.constant dense<0.000000e+00> : vector<1xf32>
    %reduce_sum3A_209 = vector.multi_reduction <add>, %select_n3A, %reduce_sum3A_208 [1] : vector<1x15xf32> to vector<1xf32>
    %broadcast_in_dim3A_210 = vector.shape_cast %reduce_sum3A_209 : vector<1xf32> to vector<1x1xf32>
    %swap3A = arith.constant 0 : index
    %swap3A_211 = arith.constant 0 : index
    %swap3A_212 = vector.load %arg1[%swap3A, %swap3A_211] : memref<1x1xf32, #tpu.memory_space<vmem>>, vector<1x1xf32>
    tpu.vector_store %arg1[%swap3A, %swap3A_211], %broadcast_in_dim3A_210 {strides = array<i32>} : memref<1x1xf32, #tpu.memory_space<vmem>>, vector<1x1xf32>,
    return
  }
}

</mosaic_0001>

<sc_bundles>
// kernel: _ece.5.cloned.1.call-start
scs
__scs_entry_jumppad:
0x0: {  	(pc) =	sbr.rel $0x88, $3  }
0x1: {  	(tag) =	ssettag $0x0;
	lr =	simm.s32 $0x1  }
0x2: {  	[smem:$0x3F9F] =	sst lr;
	_ =	strace $0xD0000000  }
0x3: {  	_ = 	snop  }
0x4: {  	_ = 	snop  }
0x5: {  	_ = 	snop  }
0x6: {  	_ = 	snop  }
0x7: {  	_ = 	snop  }
__scs_overlays_trampoline_lowered:
0x8: {  	[smem:$0x3FAE] =	sst s0  }
0x9: {  	[smem:$0x3FAF] =	sst s1  }
0xa: {  	[smem:$0x3FB0] =	sst s2  }
0xb: {  	[smem:$0x3FB1] =	sst s3  }
0xc: {  	[smem:$0x3FB2] =	sst s4  }
0xd: {  	[smem:$0x3FB3] =	sst s5  }
0xe: {  	[smem:$0x3FB4] =	sst s6  }
0xf: {  	[smem:$0x3FB5] =	sst s7  }
0x10: {  	[smem:$0x3FB6] =	sst s8  }
0x11: {  	[smem:$0x3FB7] =	sst s9;
	s0 =	simm.s32 @!p0 $0x0  }
0x12: {  	s1 =	sld [smem:$0x3F9D];
	s0 =	simm.s32 @p0 $0x1  }
0x13: {  	[smem:$0x3FB8] =	sst s0;
	s0 =	simm.s32 @!p1 $0x0  }
0x14: {  	s2 =	sld [smem:$0x3F9C];
	s0 =	simm.s32 @p1 $0x1  }
0x15: {  	[smem:$0x3FB9] =	sst s0;
	s0 =	simm.s32 @!p2 $0x0  }
0x16: {  	s3 =	sld [smem:$0x3FDB];
	s0 =	simm.s32 @p2 $0x1  }
0x17: {  	s4 =	simm.s32 $0x1BF5;
	[smem:$0x3FBB] =	sst s0  }
0x18: {  	s0 =	sld [smem:$0x3F9E];
	_ =	swait.ge [sflag:s4], $0x0  }
0x19: {  	s7 =	sld [smem:$0x3F9F]  }
0x1a: {  	s8 =	sadd.s32 $0xFFFFE003, lr  }
0x1b: {  	s9 =	sadd.s32 $0xFFFFFEF7, lr;
	s5 =	simm.s32 $0xFFFFFFFF;
	p2 =	slt.u32 s8, $0xFFFFF086  }
0x1c: {  	p1 =	slt.u32 s9, $0xF7A;
	s5 =	simm.s32 @!p2 $0x0  }
0x1d: {  	s5 =	simm.s32 @p1 $0x1;
	p0 =	seq.s32 s7, s2  }
0x1e: {  	s7 =	smul.u32 @!p0 $0xF7A, s2;
	p2 =	seq.s32 @!p0 s5, $0x0  }
0x1f: {  	s9 =	smul.u32 $0xF7A, s1;
	s8 =	simm.s32 @!p0 $0x1BF5;
	p2 =	por !p2, p0  }
0x20: {  	[sflag:s8] =	ssyncset.s32 @!p0 $0xFFFFF086;
	s6 =	sadd.s32 @!p0 s3, s7;
	s7 =	simm.s32 @!p0 $0x108  }
0x21: {  	s3 =	sadd.s32 s3, s9;
	s6 =	sadd.s32 @!p0 $0x88, s6;
	s7 =	simm.s32 @p2 $0x1082  }
0x22: {  	[simem:s7], [sflag:s8] =	dma.local @!p0 [hbm:s6], $0xF7A  }
0x23: {  	s9 =	sor.u32 $0xD0000000, s2;
	s6 =	simm.s32 $0x108;
	_ =	swait.ge @!p0 [sflag:s8], $0x0  }
0x24: {  	s3 =	sadd.s32 $0x88, s3;
	s6 =	simm.s32 @!p1 $0x1082;
	[sflag:s4] =	ssyncset.s32 $0xFFFFF086  }
0x25: {  	[simem:s6], [sflag:s4] =	dma.local [hbm:s3], $0xF7A  }
0x26: {  	[smem:$0x3F9F] =	sst s1;
	(tag) =	ssettag s2;
	_ =	strace s9  }
0x27: {  	s1 =	sld [smem:$0x3FAF]  }
0x28: {  	s2 =	sld [smem:$0x3FB0]  }
0x29: {  	s4 =	sld [smem:$0x3FB2]  }
0x2a: {  	p0 =	seq.s32 s5, $0x0;
	s5 =	sld [smem:$0x3FB3]  }
0x2b: {  	s6 =	sld [smem:$0x3FB4]  }
0x2c: {  	s7 =	sld [smem:$0x3FB5]  }
0x2d: {  	s3 =	simm.s32 $0x108;
	s8 =	sld [smem:$0x3FB6]  }
0x2e: {  	s3 =	simm.s32 @!p0 $0x1082;
	s9 =	sld [smem:$0x3FB7]  }
0x2f: {  	lr =	sadd.s32 s0, s3;
	s0 =	sld [smem:$0x3FAE]  }
0x30: {  	s3 =	sld [smem:$0x3FB1]  }
0x31: {  	[smem:$0x3FBA] =	sst s10  }
0x32: {  	s10 =	sld [smem:$0x3FB8];
	_ =	sdelay $0x3  }
0x33: {  	p0 =	seq.s32 s10, $0x1;
	s10 =	sld [smem:$0x3FBA];
	_ =	sdelay $0x3  }
0x34: {  	[smem:$0x3FBA] =	sst s10  }
0x35: {  	s10 =	sld [smem:$0x3FB9];
	_ =	sdelay $0x3  }
0x36: {  	p1 =	seq.s32 s10, $0x1;
	s10 =	sld [smem:$0x3FBA];
	_ =	sdelay $0x3  }
0x37: {  	[smem:$0x3FBA] =	sst s10  }
0x38: {  	s10 =	sld [smem:$0x3FBB]  }
0x39: {  	_ = 	snop;
	(pc) =	sbr.ind lr, $3  }
0x3a: {  	_ = 	snop  }
0x3b: {  	_ = 	snop  }
0x3c: {  	p2 =	seq.s32 s10, $0x1;
	s10 =	sld [smem:$0x3FBA]  }
0x3d: {  	_ =	shalt  }
0x3e: {  	_ =	shalt  }
0x3f: {  	_ =	shalt  }
0x40: {  	_ =	shalt  }
0x41: {  	_ =	shalt  }
0x42: {  	_ =	shalt  }
0x43: {  	_ =	shalt  }
0x44: {  	_ =	shalt  }
0x45: {  	_ =	shalt  }
0x46: {  	_ =	shalt  }
0x47: {  	_ =	shalt  }
0x48: {  	_ =	shalt  }
0x49: {  	_ =	shalt  }
0x4a: {  	_ =	shalt  }
0x4b: {  	_ =	shalt  }
0x4c: {  	_ =	shalt  }
0x4d: {  	_ =	shalt  }
0x4e: {  	_ =	shalt  }
0x4f: {  	_ =	shalt  }
0x50: {  	_ =	shalt  }
0x51: {  	_ =	shalt  }
0x52: {  	_ =	shalt  }
0x53: {  	_ =	shalt  }
0x54: {  	_ =	shalt  }
0x55: {  	_ =	shalt  }
0x56: {  	_ =	shalt  }
0x57: {  	_ =	shalt  }
0x58: {  	_ =	shalt  }
0x59: {  	_ =	shalt  }
0x5a: {  	_ =	shalt  }
0x5b: {  	_ =	shalt  }
0x5c: {  	_ =	shalt  }
0x5d: {  	_ =	shalt  }
0x5e: {  	_ =	shalt  }
0x5f: {  	_ =	shalt  }
0x60: {  	_ =	shalt  }
0x61: {  	_ =	shalt  }
0x62: {  	_ =	shalt  }
0x63: {  	_ =	shalt  }
0x64: {  	_ =	shalt  }
0x65: {  	_ =	shalt  }
0x66: {  	_ =	shalt  }
0x67: {  	_ =	shalt  }
0x68: {  	_ =	shalt  }
0x69: {  	_ =	shalt  }
0x6a: {  	_ =	shalt  }
0x6b: {  	_ =	shalt  }
0x6c: {  	_ =	shalt  }
0x6d: {  	_ =	shalt  }
0x6e: {  	_ =	shalt  }
0x6f: {  	_ =	shalt  }
0x70: {  	_ =	shalt  }
0x71: {  	_ =	shalt  }
0x72: {  	_ =	shalt  }
0x73: {  	_ =	shalt  }
0x74: {  	_ =	shalt  }
0x75: {  	_ =	shalt  }
0x76: {  	_ =	shalt  }
0x77: {  	_ =	shalt  }
0x78: {  	_ =	shalt  }
0x79: {  	_ =	shalt  }
0x7a: {  	_ =	shalt  }
0x7b: {  	_ =	shalt  }
0x7c: {  	_ =	shalt  }
0x7d: {  	_ =	shalt  }
0x7e: {  	_ =	shalt  }
0x7f: {  	_ =	shalt  }
0x80: {  	_ =	shalt  }
0x81: {  	_ =	shalt  }
0x82: {  	_ =	shalt  }
0x83: {  	_ =	shalt  }
0x84: {  	_ =	shalt  }
0x85: {  	_ =	shalt  }
0x86: {  	_ =	shalt  }
0x87: {  	_ =	shalt  }
.Lfunc_end0:
.L_simem_size_0:
called_computation_lowered:
.L_overlay_start_0:
0x88: {  	s2 =	sld [smem:$0x3FD9]  }
0x89: {  	s3 =	sld [smem:$0x3FFE];
	_ =	sdelay $0x1  }
0x8a: {  	s1 =	srdreg.scid  }
0x8b: {  	s0 =	sand.u32 $0x1, s1  }
0x8c: {  	s16 =	sshll.u32 s0, $0xA;
	s2 =	sadd.s32 s3, s2  }
0x8d: {  	s2 =	sadd.s32 s2, s16  }
0x8e: {  	[smem:$0x3FC6] =	sst s2  }
0x8f: {  	_ = 	snop  }
0x90: {  	(tm) =	ssettm $0x1  }
0x91: {  	s17 =	sld [smem:$0x3FFB];
	_ =	sdelay $0x3  }
0x92: {  	_ =	strace s17  }
0x93: {  	s2 =	sld [smem:$0x3FFC];
	_ =	sdelay $0x3  }
0x94: {  	_ =	strace s2  }
0x95: {  	s2 =	sld [smem:$0x3FFD];
	_ =	sdelay $0x3  }
0x96: {  	_ =	strace s2  }
0x97: {  	_ =	strace $0x8FFFFFFF  }
0x98: {  	s18 =	sld [smem:$0x3FDB];
	_ =	sdelay $0x1  }
0x99: {  	s19 =	simm.s32 $_scs_section_size  }
0x9a: {  	s4 =	simm.s32 $_size__tile_overlayer_lowered;
	s5 =	simm.s32 $_tile_overlayer_lowered  }
0x9b: {  	s22 =	simm.s32 $0x1BFF;
	s21 =	sshll.u32 s5, $0x1;
	s2 =	sadd.s32 s19, s18  }
0x9c: {  	s6 =	simm.s32 $0x0;
	s20 =	sshll.u32 s4, $0x1;
	s4 =	sadd.s32 s21, s2  }
0x9d: {  	[timem:s6], [sflag:s22] =	dma.local [hbm:s4], s20  }
0x9e: {  	_ =	swait.ge [sflag:s22], s20  }
0x9f: {  	s3 =	ssub.s32 $0x0, s20;
	[sflag:s22] =	ssyncset.done $0x0  }
0xa0: {  	[sflag:s22] =	ssyncadd.s32 s3;
	_ =	sdelay $0x1  }
0xa1: {  	s23 =	simm.s32 $0x1B8B  }
0xa2: {  	_ =	swait.ge [sflag:s23], $0x1  }
0xa3: {  	[sflag:s23] =	ssyncset.done $0x0  }
0xa4: {  	s25 =	simm.s32 $0x1B8E;
	s24 =	sld [smem:$0x3FFE];
	[sflag:s23] =	ssyncadd.s32 $0xFFFFFFFF  }
0xa5: {  	s26 =	simm.s32 $execute0_lowered;
	[smem:$0x3FD2] =	sst s25  }
0xa6: {  	s4 =	sshll.u32 s26, $0x1;
	_ =	strace $0x80000046;
	[dreg:$0x1] =	wrdreg $0xFFFFFFFF  }
0xa7: {  	s28 =	simm.s32 $_size_execute0_lowered;
	s2 =	sadd.s32 s2, s4;
	[dreg:$0x0] =	wrdreg $0x0  }
0xa8: {  	s4 =	sshll.u32 s28, $0x1;
	[dreg:$0x2] =	wrdreg s2  }
0xa9: {  	[dreg:$0x3] =	wrdreg s4  }
0xaa: {  	[dreg:$0x4] =	wrdreg $0xC0  }
0xab: {  	_ =	task [dreg:s6], $0x5FFFF  }
0xac: {  	[dreg:$0x1] =	wrdreg $0xFFFFFFFF  }
0xad: {  	[dreg:$0x0] =	wrdreg $0x60  }
0xae: {  	[dreg:$0x2] =	wrdreg s24  }
0xaf: {  	[dreg:$0x3] =	wrdreg $0x9  }
0xb0: {  	_ =	task.clear_ibuf [dreg:s6], $0x4FFFF;
	_ =	strace $0x90000046  }
0xb1: {  	s29 =	simm.s32 $0x9;
	_ =	strace $0x80000048  }
0xb2: {  	_ =	swait.ge [sflag:s29], $0x1  }
0xb3: {  	[sflag:s29] =	ssyncadd.s32 $0xFFFFFFFF  }
0xb4: {  	_ =	strace $0x90000048  }
0xb5: {  	_ =	sfence  }
0xb6: {  	s30 =	sld [smem:$0x0];
	_ =	sdelay $0x2  }
0xb7: {  	s31 =	sshll.u32 s1, $0xD;
	s1 =	sshrl.u32 s1, $0x2  }
0xb8: {  	s3 =	sand.u32 $0x4000, s31;
	s1 =	sadd.s32 s1, s30  }
0xb9: {  	s0 =	sor.u32 s3, s0;
	s1 =	sshll.u32 s1, $0x11  }
0xba: {  	s0 =	sor.u32 s1, s0  }
0xbb: {  	s0 =	sadd.s32 $0x8F2B, s0  }
0xbc: {  	[sflag:s0] =	ssyncadd.remote.s32 $0x1  }
0xbd: {  	_ =	sfence.sel $0xFFFF  }
0xbe: {  	[dreg:$0x0] =	wrdreg $0xFFFFFFFF;
	(pc) =	sbr.abs _section_cstart, $3  }
0xbf: {  	[dreg:$0x1] =	wrdreg $0xFFFFFFFF  }
0xc0: {  	_ =	task.clear_ibuf [dreg:s6], $0x2FFFF;
	_ =	strace $0x9FFFFFFF  }
0xc1: {  	(tm) =	ssettm $0x7FFFFFFF  }
tec
execute0_lowered:
.L_overlay_start_1:
0x0: {  	(tag) =	ssettag $0x1  }
0x1: {  	s3 =	rddreg [dreg:$0x0];
	s2 =	simm.s32 $0x0  }
0x2: {  	[smem:$0x7FF] =	sst s2  }
0x3: {  	s0 =	rddreg [dreg:$0x1];
	v0 =	vimm.f32 $1.500000000e+01;
	_ =	strace $0x80000047  }
0x4: {  	s4 =	srdreg.scid;
	(erf) = vrcp.f32 v0  }
0x5: {  	s1 =	stileid.u32;
	s9 =	simm.s32 $0x2;
	s10 =	simm.s32 $0x80  }
0x6: {  	s11 =	simm.s32 $0x400;
	s12 =	simm.s32 $0x1000;
	s13 =	simm.s32 $0x3  }
0x7: {  	s4 =	sand.u32 $0x1, s4;
	s5 =	sshll.u32 s1, $0x1;
	s7 =	sshll.u32 s1, $0x7  }
0x8: {  	s14 =	simm.s32 $0x0;
	s5 =	sor.u32 s4, s5;
	s7 =	sand.u32 $0x600, s7  }
0x9: {  	s4 =	ssub.s32 $0x2, s4;
	s6 =	sshll.u32 s5, $0x8;
	s5 =	sshll.u32 s5, $0x4  }
0xa: {  	s7 =	sadd.s32 s7, s3;
	s8 =	sshrl.u32 s4, $0x1;
	s5 =	sand.u32 $0x70, s5  }
0xb: {  	s6 =	sadd.s32 s6, s3;
	s8 =	ssub.s32 s4, s8;
	s5 =	sadd.s32 s5, s7  }
0xc: {  	s3 =	sadd.s32 $0xC00, s6;
	s4 =	sadd.s32 $0x2C00, s6;
	s6 =	smax.u32 s8, $0x1  }
0xd: {  	v1 =	vimm.s32 $0x0;
	s7 =	simm.s32 $0x800;
	s8 =	simm.s32 $0x1;
	s5 =	sadd.s32 $0x4C00, s5;
	v0 =	vpop (erf)  }
.LBB2_1:
0xe: {  	[tilespmem:s2], [sflag:$0x1] =	stream.linear.gather [hbm4b:s3+s2], $0x800, $0x38;
	[tilespmem:$0x1200] =	vst v63  }
0xf: {  	_ = 	snop  }
0x10: {  	[tilespmem:s7], [sflag:$0x2] =	stream.linear.gather [hbm4b:s4+s2], $0x800, $0x38;
	[tilespmem:$0x1200] =	vst v63  }
0x11: {  	_ =	swait.ge [sflag:s8], $0x800  }
0x12: {  	[sflag:s8] =	ssyncset.done $0x0  }
0x13: {  	[sflag:s8] =	ssyncadd.s32 $0xFFFFF800  }
0x14: {  	_ =	swait.ge [sflag:s9], $0x800  }
0x15: {  	[sflag:s9] =	ssyncset.done $0x0  }
0x16: {  	s15 =	simm.s32 $0x0;
	[sflag:s9] =	ssyncadd.s32 $0xFFFFF800  }
0x17: {  	v2 =	vld [tilespmem:s15+$0x0];
	_ =	sdelay $0x4  }
0x18: {  	v3 =	vmul.f32 $1.500000000e+01, v2;
	_ =	sdelay $0x1  }
0x19: {  	v3 =	vtrunc.f32 v3  }
0x1a: {  	v3 =	vcvt.f32.s32 v3;
	_ =	sdelay $0x1  }
0x1b: {  	v11 =	vimm.f32 $0.0e+00;
	v30 =	vimm.f32 $0.0e+00;
	vm0 =	vlt.s32 v3, $0xE  }
0x1c: {  	v14 =	vimm.f32 $0.0e+00;
	v24 =	vimm.f32 $0.0e+00;
	v3 =	vnsel vm0, $0xE, v3  }
0x1d: {  	v28 =	vimm.f32 $0.0e+00;
	v19 =	vimm.f32 $0.0e+00;
	v4 =	vcvt.s32.f32 v3  }
0x1e: {  	v25 =	vimm.f32 $0.0e+00;
	v29 =	vimm.f32 $0.0e+00;
	v20 =	vimm.f32 $0.0e+00  }
0x1f: {  	v31 =	vimm.f32 $0.0e+00;
	v22 =	vimm.f32 $0.0e+00;
	v6 =	vld [tilespmem:s15+$0x800];
	v5 =	vadd.f32 $1.000000000e+00, v4  }
0x20: {  	v27 =	vimm.f32 $0.0e+00;
	v33 =	vimm.f32 $0.0e+00;
	v10 =	vimm.f32 $0.0e+00  }
0x21: {  	v12 =	vimm.f32 $0.0e+00;
	v9 =	vimm.f32 $0.0e+00;
	v5 =	vmul.f32 v5, v0  }
0x22: {  	v8 =	vimm.f32 $0.0e+00;
	v18 =	vimm.f32 $0.0e+00;
	v4 =	vmul.f32 v4, v0  }
0x23: {  	v32 =	vimm.f32 $0.0e+00;
	v16 =	vimm.f32 $0.0e+00;
	vm0 =	vgt.f32 v2, v5  }
0x24: {  	vm1 =	vle.f32 v2, v4;
	v5 =	vmul.f32 $4.096000000e+03, v6;
	v4 =	vsel vm0, $0x1, v1  }
0x25: {  	v23 =	vimm.f32 $0.0e+00;
	v34 =	vimm.f32 $0.0e+00;
	v4 =	vsel vm1, $0xFFFFFFFF, v4  }
0x26: {  	v21 =	vimm.f32 $0.0e+00;
	v13 =	vadd.s32 v3, v4;
	v4 =	vadd.f32 $1.000000000e+00, v5  }
0x27: {  	vm2 =	veq.s32 v13, $0x0;
	vm1 =	veq.s32 v13, $0x1;
	vm6 =	veq.s32 v13, $0xE  }
0x28: {  	vm0 =	veq.s32 v13, $0x3;
	vm3 =	veq.s32 v13, $0x4;
	vm4 =	veq.s32 v13, $0x6  }
0x29: {  	vm5 =	veq.s32 v13, $0x7;
	v3 =	vnsel vm6, $0x0, v2;
	v38 =	vnsel vm3, $0x0, v4  }
0x2a: {  	v5 =	vnsel vm2, $0x0, v2;
	v36 =	vnsel vm4, $0x0, v4;
	v6 =	vnsel vm3, $0x0, v2  }
0x2b: {  	vm3 =	veq.s32 v13, $0x5;
	v41 =	vnsel vm1, $0x0, v2;
	v7 =	vnsel vm4, $0x0, v2  }
0x2c: {  	v40 =	vnsel vm0, $0x0, v4;
	vm4 =	veq.s32 v13, $0x8;
	v35 =	vnsel vm6, $0x0, v4  }
0x2d: {  	v3 =	vadd.f32 v3, v11;
	v39 =	vnsel vm3, $0x0, v4;
	v26 =	vadd.f32 v5, v11  }
0x2e: {  	v17 =	vadd.f32 v6, v11;
	v15 =	vadd.f32 v7, v11;
	v37 =	vnsel vm4, $0x0, v4  }
0x2f: {  	s15 =	simm.s32 $0x40;
	v5 =	vimm.f32 $0.0e+00;
	v6 =	vimm.f32 $0.0e+00;
	v7 =	vimm.f32 $0.0e+00  }
.LBB2_2:
0x30: {  	s16 =	sshra.s32 s15, $0x2;
	p0 =	sne.s32 s15, $0x1FC0;
	s15 =	sadd.s32 $0x40, s15;
	v11 =	vadd.f32 v38, v11;
	v38 =	vnsel vm3, $0x0, v2;
	v42 =	vnsel vm4, $0x0, v2  }
0x31: {  	v44 =	vnsel vm5, $0x0, v4;
	v30 =	vadd.f32 v41, v30;
	v43 =	vld [tilespmem:s16+$0x0];
	v14 =	vadd.f32 v42, v14  }
0x32: {  	v24 =	vadd.f32 v39, v24;
	v5 =	vadd.f32 v35, v5;
	v35 =	vnsel vm5, $0x0, v2  }
0x33: {  	v28 =	vadd.f32 v40, v28;
	v39 =	vnsel vm0, $0x0, v2;
	v19 =	vadd.f32 v35, v19  }
0x34: {  	v25 =	vadd.f32 v36, v25;
	v35 =	vnsel vm2, $0x0, v4;
	v29 =	vadd.f32 v39, v29  }
0x35: {  	v36 =	vnsel vm1, $0x0, v4;
	v20 =	vadd.f32 v37, v20;
	vm2 =	veq.s32 v13, $0xC  }
0x36: {  	v31 =	vadd.f32 v36, v31;
	v22 =	vadd.f32 v44, v22;
	v37 =	vmul.f32 $1.500000000e+01, v43  }
0x37: {  	vm1 =	veq.s32 v13, $0x9;
	vm0 =	veq.s32 v13, $0xA;
	v27 =	vadd.f32 v38, v27  }
0x38: {  	vm3 =	veq.s32 v13, $0x2;
	vm4 =	veq.s32 v13, $0xD;
	v36 =	vtrunc.f32 v37  }
0x39: {  	vm5 =	veq.s32 v13, $0xB;
	v33 =	vadd.f32 v35, v33;
	v37 =	vld [tilespmem:s16+$0x800];
	v36 =	vcvt.f32.s32 v36  }
0x3a: {  	v13 =	vnsel vm3, $0x0, v4;
	v38 =	vnsel vm5, $0x0, v2;
	v35 =	vnsel vm5, $0x0, v4  }
0x3b: {  	v10 =	vadd.f32 v38, v10;
	v38 =	vnsel vm4, $0x0, v2;
	vm5 =	vlt.s32 v36, $0xE  }
0x3c: {  	v12 =	vadd.f32 v35, v12;
	v35 =	vnsel vm2, $0x0, v2;
	v36 =	vnsel vm5, $0xE, v36  }
0x3d: {  	v40 =	vnsel vm1, $0x0, v4;
	v41 =	vnsel vm2, $0x0, v4;
	v39 =	vcvt.s32.f32 v36  }
0x3e: {  	v42 =	vnsel vm4, $0x0, v4;
	v44 =	vnsel vm3, $0x0, v2;
	v37 =	vmul.f32 $4.096000000e+03, v37  }
0x3f: {  	v6 =	vadd.f32 v42, v6;
	v45 =	vmul.f32 v39, v0;
	v39 =	vadd.f32 $1.000000000e+00, v39  }
0x40: {  	v42 =	vnsel vm0, $0x0, v2;
	v9 =	vadd.f32 v41, v9;
	v41 =	vnsel vm1, $0x0, v2;
	v2 =	vmovc v43  }
0x41: {  	v8 =	vadd.f32 v35, v8;
	v39 =	vmul.f32 v39, v0;
	vm1 =	vle.f32 v2, v45  }
0x42: {  	v4 =	vnsel vm0, $0x0, v4;
	v7 =	vadd.f32 v38, v7;
	v18 =	vadd.f32 v41, v18  }
0x43: {  	v32 =	vadd.f32 v13, v32;
	v16 =	vadd.f32 v42, v16;
	vm0 =	vgt.f32 v2, v39  }
0x44: {  	v23 =	vadd.f32 v40, v23;
	v34 =	vadd.f32 v44, v34;
	v13 =	vsel vm0, $0x1, v1  }
0x45: {  	v21 =	vadd.f32 v4, v21;
	v13 =	vsel vm1, $0xFFFFFFFF, v13  }
0x46: {  	v4 =	vadd.f32 $1.000000000e+00, v37;
	v13 =	vadd.s32 v36, v13  }
0x47: {  	vm2 =	veq.s32 v13, $0x0;
	vm1 =	veq.s32 v13, $0x1;
	vm6 =	veq.s32 v13, $0xE  }
0x48: {  	vm0 =	veq.s32 v13, $0x3;
	vm3 =	veq.s32 v13, $0x4;
	v35 =	vnsel vm6, $0x0, v2  }
0x49: {  	vm4 =	veq.s32 v13, $0x6;
	v38 =	vnsel vm3, $0x0, v4;
	v37 =	vnsel vm2, $0x0, v2  }
.Ltmp0:
0x4a: {  	v36 =	vnsel vm4, $0x0, v4;
	v40 =	vnsel vm3, $0x0, v2;
	v3 =	vadd.f32 v35, v3;
	(pc) =	sbr.rel @p0 .LBB2_2-.Ltmp0, $4  }
0x4b: {  	vm3 =	veq.s32 v13, $0x5;
	v41 =	vnsel vm1, $0x0, v2;
	v35 =	vnsel vm4, $0x0, v2  }
0x4c: {  	v39 =	vnsel vm3, $0x0, v4;
	v26 =	vadd.f32 v37, v26;
	v17 =	vadd.f32 v40, v17  }
0x4d: {  	v40 =	vnsel vm0, $0x0, v4;
	vm4 =	veq.s32 v13, $0x8;
	v15 =	vadd.f32 v35, v15  }
0x4e: {  	vm5 =	veq.s32 v13, $0x7;
	v37 =	vnsel vm4, $0x0, v4;
	v35 =	vnsel vm6, $0x0, v4  }
0x4f: {  	[tilespmem:$0x10F0] =	vst v26  }
0x50: {  	[tilespmem:$0x1130] =	vst v17  }
0x51: {  	v30 =	vadd.f32 v41, v30;
	[tilespmem:$0x1150] =	vst v15  }
0x52: {  	v28 =	vadd.f32 v40, v28;
	[tilespmem:$0x11D0] =	vst v3  }
0x53: {  	v11 =	vadd.f32 v38, v11;
	[tilespmem:$0x1100] =	vst v30  }
0x54: {  	v24 =	vadd.f32 v39, v24;
	[tilespmem:$0x1030] =	vst v28  }
0x55: {  	v50 =	vadd.f32 v36, v25;
	[tilespmem:$0x1040] =	vst v11  }
0x56: {  	v54 =	vadd.f32 v37, v20;
	[tilespmem:$0x1050] =	vst v24  }
0x57: {  	v42 =	vnsel vm2, $0x0, v4;
	v5 =	vadd.f32 v35, v5;
	[tilespmem:$0x1060] =	vst v50  }
0x58: {  	v63 =	vnsel vm1, $0x0, v4;
	v33 =	vadd.f32 v42, v33;
	[tilespmem:$0x1080] =	vst v54  }
0x59: {  	v47 =	vnsel vm0, $0x0, v2;
	v31 =	vadd.f32 v63, v31;
	[tilespmem:$0x10E0] =	vst v5  }
0x5a: {  	v48 =	vnsel vm3, $0x0, v2;
	v29 =	vadd.f32 v47, v29;
	[tilespmem:$0x1000] =	vst v33  }
0x5b: {  	v51 =	vnsel vm5, $0x0, v4;
	v49 =	vadd.f32 v48, v27;
	[tilespmem:$0x1010] =	vst v31  }
0x5c: {  	vm10 =	veq.s32 v13, $0x2;
	v53 =	vnsel vm4, $0x0, v2;
	v22 =	vadd.f32 v51, v22;
	[tilespmem:$0x1120] =	vst v29  }
0x5d: {  	v45 =	vnsel vm10, $0x0, v4;
	v14 =	vadd.f32 v53, v14;
	[tilespmem:$0x1140] =	vst v49  }
0x5e: {  	v46 =	vnsel vm10, $0x0, v2;
	v32 =	vadd.f32 v45, v32;
	[tilespmem:$0x1070] =	vst v22  }
0x5f: {  	v52 =	vnsel vm5, $0x0, v2;
	vm11 =	veq.s32 v13, $0x9;
	v26 =	vadd.f32 v46, v34;
	[tilespmem:$0x1170] =	vst v14  }
0x60: {  	vm12 =	veq.s32 v13, $0xA;
	v55 =	vnsel vm11, $0x0, v4;
	v11 =	vadd.f32 v52, v19;
	[tilespmem:$0x1020] =	vst v32  }
0x61: {  	vm13 =	veq.s32 v13, $0xB;
	v57 =	vnsel vm12, $0x0, v4;
	v15 =	vadd.f32 v55, v23;
	[tilespmem:$0x1110] =	vst v26  }
0x62: {  	v59 =	vnsel vm13, $0x0, v4;
	v17 =	vadd.f32 v57, v21;
	[tilespmem:$0x1160] =	vst v11  }
0x63: {  	vm14 =	veq.s32 v13, $0xC;
	v60 =	vnsel vm13, $0x0, v2;
	v12 =	vadd.f32 v59, v12;
	[tilespmem:$0x1090] =	vst v15  }
0x64: {  	v61 =	vnsel vm14, $0x0, v4;
	v10 =	vadd.f32 v60, v10;
	[tilespmem:$0x10A0] =	vst v17  }
0x65: {  	vm15 =	veq.s32 v13, $0xD;
	v62 =	vnsel vm14, $0x0, v2;
	v9 =	vadd.f32 v61, v9;
	[tilespmem:$0x10B0] =	vst v12  }
0x66: {  	v56 =	vnsel vm11, $0x0, v2;
	v63 =	vnsel vm15, $0x0, v4;
	v8 =	vadd.f32 v62, v8;
	[tilespmem:$0x11A0] =	vst v10  }
0x67: {  	v58 =	vnsel vm12, $0x0, v2;
	v2 =	vnsel vm15, $0x0, v2;
	v4 =	vadd.f32 v63, v6;
	[tilespmem:$0x10C0] =	vst v9  }
0x68: {  	v2 =	vadd.f32 v2, v7;
	[tilespmem:$0x11B0] =	vst v8  }
0x69: {  	v14 =	vadd.f32 v58, v16;
	[tilespmem:$0x10D0] =	vst v4  }
0x6a: {  	s14 =	sadd.s32 $0x1, s14;
	v11 =	vadd.f32 v56, v18;
	[tilespmem:$0x11C0] =	vst v2  }
0x6b: {  	p0 =	sne.s32 s14, s6;
	[tilespmem:$0x1190] =	vst v14  }
.Ltmp1:
0x6c: {  	[tilespmem:$0x1180] =	vst v11;
	(pc) =	sbr.rel @p0 .LBB2_1-.Ltmp1, $4  }
0x6d: {  	[hbm4b:s5+s10] =	stream.strided.scatter [tilespmem:s12], [sflag:$0x3], $0x200, s11, s10, $0x38;
	[tilespmem:$0x1200] =	vst v63  }
0x6e: {  	_ =	swait.ge [sflag:s13], $0x200  }
0x6f: {  	[sflag:s13] =	ssyncset.done $0x0  }
0x70: {  	[sflag:s13] =	ssyncadd.s32 $0xFFFFFE00  }
0x71: {  	_ =	sfence.sel $0x180000  }
0x72: {  	[bflag:$0x0] =	sbarrier.arrive $0xFFFF  }
0x73: {  	p0 =	sne.s32 s1, $0x0;
	_ =	strace $0x90000047  }
0x74: {  	s0 =	sadd.s32 @!p0 $0x100000, s0;
	[bflag:$0x2] =	sbarrier.arrive $0xFFFF  }
0x75: {  	[sflag:s0] =	ssyncadd.tile.s32 @!p0 $0x1;
	_ =	shalt  }
.Lfunc_end2:
_tile_overlayer_lowered:
.L_overlay_start_2:
0x76: {  	(tag) =	ssettag $0x2  }
0x77: {  	s0 =	rddreg [dreg:$0x0];
	s2 =	stileid.u32  }
0x78: {  	s1 =	rddreg [dreg:$0x1];
	p0 =	sne.s32 s2, $0x0  }
0x79: {  	s3 =	rddreg [dreg:$0x2];
	[bflag:$0x3] =	sbarrier.arrive $0xFFFF;
	s2 =	simm.s32 @!p0 $0x1C03  }
0x7a: {  	[timem:s3], [sflag:s2] =	dma.local @!p0 [hbm:s0], s1  }
0x7b: {  	s0 =	simm.s32 @!p0 $0x3  }
0x7c: {  	_ =	swait.ge @!p0 [sflag:s0], s1  }
0x7d: {  	s1 =	ssub.s32 @!p0 $0x0, s1;
	[sflag:s0] =	ssyncset.done @!p0 $0x0  }
0x7e: {  	[sflag:s0] =	ssyncadd.s32 @!p0 s1  }
0x7f: {  	[bflag:$0x3] =	sbarrier.arrive $0xFFFF  }
0x80: {  	_ =	shalt  }

</sc_bundles>
